<compile_context>
chip_gen: v7x
topology: tpu7x:2x2x1
jax: 0.10.2.dev20260603
libtpu: 0.0.44.dev20260713+nightly
codegen_flags: <defaults>
</compile_context>

<pallas_src>
import functools

import jax
import jax.numpy as jnp
from jax import lax
from jax.experimental import pallas as pl
from jax.experimental.pallas import tpu as pltpu
from jax.experimental.pallas import tpu_sc as plsc

N = 10000
E = 320000
D_IN = 128
D_HID = 32
D_OUT = 64

N_PAD = 10240
NT = 32
NSUB = 16
E_PER_TILE = 10240
E_PAD = NT * E_PER_TILE
C = 128
NCH = E_PER_TILE // C
C_DEG = 256
NCH_DEG = E_PER_TILE // C_DEG
RPS = N_PAD // NSUB

_MESH = plsc.VectorSubcoreMesh(core_axis_name="c", subcore_axis_name="s")
_SC_PARAMS = pltpu.CompilerParams(use_tc_tiling_on_sc=False)



def _deg_body(row_hbm, ones_hbm, zeros_hbm, out_hbm, row_v, ones_v, acc,
              sa, sb, sc_):
    c = lax.axis_index("c")
    s = lax.axis_index("s")
    wid = c * NSUB + s
    cp0 = pltpu.async_copy(row_hbm.at[wid], row_v, sa)
    cp1 = pltpu.async_copy(ones_hbm, ones_v, sb)
    cp2 = pltpu.async_copy(zeros_hbm.at[pl.ds(s * RPS, RPS)],
                           acc.at[pl.ds(s * RPS, RPS)], sc_)
    cp0.wait()
    cp1.wait()
    cp2.wait()
    plsc.subcore_barrier()

    def body(j, carry):
        pltpu.sync_copy(ones_v, acc.at[row_v.at[j]], add=True)
        return carry

    lax.fori_loop(0, NCH_DEG, body, 0)
    plsc.subcore_barrier()
    pltpu.sync_copy(acc.at[pl.ds(s * RPS, RPS)],
                    out_hbm.at[c, pl.ds(s * RPS, RPS)])


_deg_call = pl.kernel(
    _deg_body,
    out_type=jax.ShapeDtypeStruct((2, N_PAD, 16), jnp.float32),
    mesh=_MESH,
    scratch_types=[
        pltpu.VMEM((NCH_DEG, C_DEG), jnp.int32),
        pltpu.VMEM((C_DEG, 16), jnp.float32),
        pltpu.VMEM_SHARED((N_PAD, 16), jnp.float32),
        pltpu.SemaphoreType.DMA,
        pltpu.SemaphoreType.DMA,
        pltpu.SemaphoreType.DMA,
    ],
    compiler_params=_SC_PARAMS,
)


def _prop_body(z_hbm, row_hbm, col_hbm, zeros_hbm, out_hbm,
               row_v, col_v, m0, m1, m2, m3, acc, z_sp,
               s0, s1, s2, s3, *, d):
    c = lax.axis_index("c")
    s = lax.axis_index("s")
    wid = c * NSUB + s
    cp0 = pltpu.async_copy(row_hbm.at[wid], row_v, s0)
    cp1 = pltpu.async_copy(col_hbm.at[wid], col_v, s1)
    cp2 = pltpu.async_copy(zeros_hbm.at[pl.ds(s * RPS, RPS)],
                           acc.at[pl.ds(s * RPS, RPS)], s2)
    cp3 = pltpu.async_copy(z_hbm.at[pl.ds(s * RPS, RPS)],
                           z_sp.at[pl.ds(s * RPS, RPS)], s3)
    cp0.wait()
    cp1.wait()
    cp2.wait()
    cp3.wait()
    plsc.subcore_barrier()

    pltpu.async_copy(z_sp.at[row_v.at[0]], m0, s0)
    pltpu.async_copy(z_sp.at[row_v.at[1]], m1, s1)
    pltpu.async_copy(z_sp.at[row_v.at[2]], m2, s2)

    def body(jj, carry):
        j0 = jj * 4

        pltpu.async_copy(z_sp.at[row_v.at[j0 + 3]], m3, s3)
        pltpu.make_async_copy(z_sp.at[row_v.at[j0]], m0, s0).wait()
        pltpu.sync_copy(m0, acc.at[col_v.at[j0]], add=True)

        @pl.when(jj + 1 < NCH // 4)
        def _():
            pltpu.async_copy(z_sp.at[row_v.at[j0 + 4]], m0, s0)

        pltpu.make_async_copy(z_sp.at[row_v.at[j0 + 1]], m1, s1).wait()
        pltpu.sync_copy(m1, acc.at[col_v.at[j0 + 1]], add=True)

        @pl.when(jj + 1 < NCH // 4)
        def _():
            pltpu.async_copy(z_sp.at[row_v.at[j0 + 5]], m1, s1)

        pltpu.make_async_copy(z_sp.at[row_v.at[j0 + 2]], m2, s2).wait()
        pltpu.sync_copy(m2, acc.at[col_v.at[j0 + 2]], add=True)

        @pl.when(jj + 1 < NCH // 4)
        def _():
            pltpu.async_copy(z_sp.at[row_v.at[j0 + 6]], m2, s2)

        pltpu.make_async_copy(z_sp.at[row_v.at[j0 + 3]], m3, s3).wait()
        pltpu.sync_copy(m3, acc.at[col_v.at[j0 + 3]], add=True)
        return carry

    lax.fori_loop(0, NCH // 4, body, 0)
    plsc.subcore_barrier()
    pltpu.sync_copy(acc.at[pl.ds(s * RPS, RPS)],
                    out_hbm.at[c, pl.ds(s * RPS, RPS)])


def _make_prop(d):
    return pl.kernel(
        functools.partial(_prop_body, d=d),
        out_type=jax.ShapeDtypeStruct((2, N_PAD, d), jnp.float32),
        mesh=_MESH,
        scratch_types=[
            pltpu.VMEM((NCH, C), jnp.int32),
            pltpu.VMEM((NCH, C), jnp.int32),
            pltpu.VMEM((C, d), jnp.float32),
            pltpu.VMEM((C, d), jnp.float32),
            pltpu.VMEM((C, d), jnp.float32),
            pltpu.VMEM((C, d), jnp.float32),
            pltpu.VMEM_SHARED((N_PAD, d), jnp.float32),
            pltpu.VMEM_SHARED((N_PAD, d), jnp.float32),
            pltpu.SemaphoreType.DMA,
            pltpu.SemaphoreType.DMA,
            pltpu.SemaphoreType.DMA,
            pltpu.SemaphoreType.DMA,
        ],
        compiler_params=_SC_PARAMS,
    )


_prop32_call = _make_prop(D_HID)



BLK = 1024
GRID = N_PAD // BLK


def _mm2_body(x_ref, w0_ref, w1_ref, xw0_ref, xw1_ref):
    x = x_ref[...]
    xw0_ref[...] = jnp.dot(x, w0_ref[...], preferred_element_type=jnp.float32)
    xw1_ref[...] = jnp.dot(x, w1_ref[...], preferred_element_type=jnp.float32)


_mm2_call = pl.pallas_call(
    _mm2_body,
    grid=(GRID,),
    in_specs=[
        pl.BlockSpec((BLK, D_IN), lambda i: (i, 0)),
        pl.BlockSpec((D_IN, D_HID), lambda i: (0, 0)),
        pl.BlockSpec((D_IN, D_HID), lambda i: (0, 0)),
    ],
    out_specs=[
        pl.BlockSpec((BLK, D_HID), lambda i: (i, 0)),
        pl.BlockSpec((BLK, D_HID), lambda i: (i, 0)),
    ],
    out_shape=[
        jax.ShapeDtypeStruct((N_PAD, D_HID), jnp.float32),
        jax.ShapeDtypeStruct((N_PAD, D_HID), jnp.float32),
    ],
)


def _disz1_body(degp_ref, xw1_ref, z1_ref, dis_ref):
    deg = degp_ref[0, :, :] + degp_ref[1, :, :]
    dis = jnp.where(deg > 0.0, lax.rsqrt(deg), 0.0)
    dis_ref[...] = dis
    z1_ref[...] = xw1_ref[...] * dis[:, 0:1]


_disz1_call = pl.pallas_call(
    _disz1_body,
    grid=(GRID,),
    in_specs=[
        pl.BlockSpec((2, BLK, 16), lambda i: (0, i, 0)),
        pl.BlockSpec((BLK, D_HID), lambda i: (i, 0)),
    ],
    out_specs=[
        pl.BlockSpec((BLK, D_HID), lambda i: (i, 0)),
        pl.BlockSpec((BLK, 16), lambda i: (i, 0)),
    ],
    out_shape=[
        jax.ShapeDtypeStruct((N_PAD, D_HID), jnp.float32),
        jax.ShapeDtypeStruct((N_PAD, 16), jnp.float32),
    ],
)


def _layer1b_body(xw0_ref, s1p_ref, dis_ref, b1_ref, w02_ref,
                  hw0_ref, z2_ref):
    s1 = s1p_ref[0, :, :] + s1p_ref[1, :, :]
    dis = dis_ref[:, 0:1]
    h = jnp.maximum(xw0_ref[...] - dis * s1 + b1_ref[...], 0.0)
    hw0_ref[...] = jnp.dot(h, w02_ref[...], preferred_element_type=jnp.float32)
    z2_ref[...] = dis * h


_layer1b_call = pl.pallas_call(
    _layer1b_body,
    grid=(GRID,),
    in_specs=[
        pl.BlockSpec((BLK, D_HID), lambda i: (i, 0)),
        pl.BlockSpec((2, BLK, D_HID), lambda i: (0, i, 0)),
        pl.BlockSpec((BLK, 16), lambda i: (i, 0)),
        pl.BlockSpec((1, D_HID), lambda i: (0, 0)),
        pl.BlockSpec((D_HID, D_OUT), lambda i: (0, 0)),
    ],
    out_specs=[
        pl.BlockSpec((BLK, D_OUT), lambda i: (i, 0)),
        pl.BlockSpec((BLK, D_HID), lambda i: (i, 0)),
    ],
    out_shape=[
        jax.ShapeDtypeStruct((N_PAD, D_OUT), jnp.float32),
        jax.ShapeDtypeStruct((N_PAD, D_HID), jnp.float32),
    ],
)


def _final_body(hw0_ref, s2p_ref, dis_ref, b2_ref, w12_ref, out_ref):
    s2 = s2p_ref[0, :, :] + s2p_ref[1, :, :]
    dis = dis_ref[:, 0:1]
    s2w = jnp.dot(s2, w12_ref[...], preferred_element_type=jnp.float32)
    logits = hw0_ref[...] - dis * s2w + b2_ref[...]
    m = jnp.max(logits, axis=1, keepdims=True)
    shifted = logits - m
    lse = jnp.log(jnp.sum(jnp.exp(shifted), axis=1, keepdims=True))
    out_ref[...] = shifted - lse


_final_call = pl.pallas_call(
    _final_body,
    grid=(GRID,),
    in_specs=[
        pl.BlockSpec((BLK, D_OUT), lambda i: (i, 0)),
        pl.BlockSpec((2, BLK, D_HID), lambda i: (0, i, 0)),
        pl.BlockSpec((BLK, 16), lambda i: (i, 0)),
        pl.BlockSpec((1, D_OUT), lambda i: (0, 0)),
        pl.BlockSpec((D_HID, D_OUT), lambda i: (0, 0)),
    ],
    out_specs=pl.BlockSpec((BLK, D_OUT), lambda i: (i, 0)),
    out_shape=jax.ShapeDtypeStruct((N_PAD, D_OUT), jnp.float32),
)



def kernel(x, edge_index, W0_1, W1_1, b1, W0_2, W1_2, b2):
    ei = edge_index.astype(jnp.int32)
    row, col = ei[0], ei[1]
    pad = E_PAD - E
    rowp = jnp.concatenate([row, jnp.full((pad,), N, jnp.int32)])
    colp = jnp.concatenate([col, jnp.full((pad,), N, jnp.int32)])
    row2d = rowp.reshape(NT, NCH, C)
    col2d = colp.reshape(NT, NCH, C)

    xp = jnp.pad(x, ((0, N_PAD - N), (0, 0)))
    rowd = rowp.reshape(NT, NCH_DEG, C_DEG)
    ones_c16 = jnp.ones((C_DEG, 16), jnp.float32)
    zeros16 = jnp.zeros((N_PAD, 16), jnp.float32)
    zeros32 = jnp.zeros((N_PAD, D_HID), jnp.float32)

    degp = _deg_call(rowd, ones_c16, zeros16)
    xw0, xw1 = _mm2_call(xp, W0_1, W1_1)
    z1, dis16 = _disz1_call(degp, xw1)
    s1p = _prop32_call(z1, row2d, col2d, zeros32)
    hw0, z2 = _layer1b_call(xw0, s1p, dis16,
                            b1.reshape(1, D_HID), W0_2)
    s2p = _prop32_call(z2, row2d, col2d, zeros32)
    outp = _final_call(hw0, s2p, dis16,
                       b2.reshape(1, D_OUT), W1_2)
    return outp[:N]

# --- scband reference (transcript-rebuilt; emitter-appended) ---
"""Pipeline reference for scband-cheb-net-85985245266266 (READ-ONLY COPY).

The authoritative reference and input builder live on the scoring server;
editing this copy changes nothing except your own understanding.
"""

import jax, jax.numpy as jnp
import numpy as np

N = 10000
E = 320000
D_IN = 128
D_HID = 32
D_OUT = 64


def setup_inputs(seed: int = 0) -> dict:
    key = jax.random.key(seed)
    ks = jax.random.split(key, 8)
    x = jax.random.normal(ks[0], (N, D_IN), dtype=jnp.float32)
    edge_index = jax.random.randint(ks[1], (2, E), 0, N, dtype=jnp.int32).astype(jnp.int64)
    # ChebConv layer 1: K=2 -> two weight matrices + bias
    W0_1 = jax.random.normal(ks[2], (D_IN, D_HID), dtype=jnp.float32) * (1.0 / np.sqrt(D_IN))
    W1_1 = jax.random.normal(ks[3], (D_IN, D_HID), dtype=jnp.float32) * (1.0 / np.sqrt(D_IN))
    b1 = jnp.zeros((D_HID,), dtype=jnp.float32)
    # ChebConv layer 2: K=2
    W0_2 = jax.random.normal(ks[4], (D_HID, D_OUT), dtype=jnp.float32) * (1.0 / np.sqrt(D_HID))
    W1_2 = jax.random.normal(ks[5], (D_HID, D_OUT), dtype=jnp.float32) * (1.0 / np.sqrt(D_HID))
    b2 = jnp.zeros((D_OUT,), dtype=jnp.float32)
    return {"x": x, "edge_index": edge_index, "W0_1": W0_1, "W1_1": W1_1, "b1": b1, "W0_2": W0_2, "W1_2": W1_2, "b2": b2}


def _cheb_norm(edge_index, num_nodes):
    # PyG ChebConv.__norm__ with normalization='sym', lambda_max=2.0:
    # L_hat = 2L/lambda_max - I = -D^{-1/2} A D^{-1/2} (zeros on diagonal)
    row = edge_index[0]
    col = edge_index[1]
    w = jnp.ones((edge_index.shape[1],), dtype=jnp.float32)
    deg = jax.ops.segment_sum(w, row, num_segments=num_nodes)
    deg_inv_sqrt = jnp.where(deg > 0, deg ** -0.5, 0.0)
    norm = -(deg_inv_sqrt[row] * w * deg_inv_sqrt[col])
    return norm


def _cheb_conv(x, edge_index, norm, W0, W1, b):
    # K=2 Chebyshev: out = Tx_0 @ W0 + Tx_1 @ W1 + b
    row = edge_index[0]
    col = edge_index[1]
    Tx_0 = x
    # propagate: out[i] = sum_{e: col[e]==i} norm[e] * x[row[e]]
    msgs = norm[:, None] * jnp.take(x, row, axis=0)
    Tx_1 = jax.ops.segment_sum(msgs, col, num_segments=x.shape[0])
    return Tx_0 @ W0 + Tx_1 @ W1 + b


def reference(x, edge_index, W0_1, W1_1, b1, W0_2, W1_2, b2):
    norm = _cheb_norm(edge_index, x.shape[0])
    h = _cheb_conv(x, edge_index, norm, W0_1, W1_1, b1)
    h = jax.nn.relu(h)
    # Dropout(p=0.5) in eval mode -> identity
    h = _cheb_conv(h, edge_index, norm, W0_2, W1_2, b2)
    return jax.nn.log_softmax(h, axis=1)

if __name__ == "__main__":
    import jax
    _d = setup_inputs()
    print(jax.jit(kernel)(*tuple(_d.values())))

</pallas_src>

<mosaic_0001>
#map = affine_map<(d0, d1) -> (0, 0, 0)>
#map1 = affine_map<(d0, d1) -> (0, 0)>
module attributes {stable_mosaic.version = 14 : i64} {
  func.func @_deg_body(%arg0: i32, %arg1: i32, %arg2: memref<32x40x256xi32, #tpu.memory_space<hbm>>, %arg3: memref<256x16xf32, #tpu.memory_space<hbm>>, %arg4: memref<10240x16xf32, #tpu.memory_space<hbm>>, %arg5: memref<2x10240x16xf32, #tpu.memory_space<hbm>>, %arg6: memref<40x256xi32, #tpu.memory_space<vmem>>, %arg7: memref<256x16xf32, #tpu.memory_space<vmem>>, %arg8: memref<10240x16xf32, #tpu.memory_space<vmem_shared>>, %arg9: memref<!tpu.dma_semaphore, #tpu.memory_space<semaphore_mem>>, %arg10: memref<!tpu.dma_semaphore, #tpu.memory_space<semaphore_mem>>, %arg11: memref<!tpu.dma_semaphore, #tpu.memory_space<semaphore_mem>>) attributes {dimension_semantics = [#tpu.dimension_semantics<core_parallel>, #tpu.dimension_semantics<subcore_parallel>], iteration_bounds = array<i64: 2, 16>, scalar_prefetch = 0 : i64, scratch_operands = 6 : i64, tpu.core_type = #tpu.core_type<sc_vector_subcore>, window_params = [{transform_indices = #map}, {transform_indices = #map1}, {transform_indices = #map1}, {transform_indices = #map}]} {
    %mul3A = arith.constant 16 : i32
    %mul3A_0 = arith.muli %arg0, %mul3A : i32
    %add3A = arith.addi %mul3A_0, %arg1 : i32
    %dma_start3A = arith.constant 0 : i32
    %dma_start3A_1 = arith.constant 0 : i32
    %dma_start3A_2 = tpu.memref_slice %arg2[%add3A, %dma_start3A, %dma_start3A_1] : memref<32x40x256xi32, #tpu.memory_space<hbm>> -> memref<1x40x256xi32, #tpu.memory_space<hbm>>
    %dma_start3A_3 = tpu.memref_squeeze %dma_start3A_2 : memref<1x40x256xi32, #tpu.memory_space<hbm>> -> memref<40x256xi32, #tpu.memory_space<hbm>>
    %dma_start3A_4 = arith.constant 0 : i32
    %dma_start3A_5 = arith.constant 0 : i32
    %dma_start3A_6 = tpu.memref_slice %arg2[%add3A, %dma_start3A_4, %dma_start3A_5] : memref<32x40x256xi32, #tpu.memory_space<hbm>> -> memref<1x40x256xi32, #tpu.memory_space<hbm>>
    %dma_start3A_7 = tpu.memref_squeeze %dma_start3A_6 : memref<1x40x256xi32, #tpu.memory_space<hbm>> -> memref<40x256xi32, #tpu.memory_space<hbm>>
    tpu.enqueue_dma source(%dma_start3A_7 : memref<40x256xi32, #tpu.memory_space<hbm>>) target(%arg6 : memref<40x256xi32, #tpu.memory_space<vmem>>) target_semaphore(%arg9 : memref<!tpu.dma_semaphore, #tpu.memory_space<semaphore_mem>>)
    tpu.enqueue_dma source(%arg3 : memref<256x16xf32, #tpu.memory_space<hbm>>) target(%arg7 : memref<256x16xf32, #tpu.memory_space<vmem>>) target_semaphore(%arg10 : memref<!tpu.dma_semaphore, #tpu.memory_space<semaphore_mem>>)
    %mul3A_8 = arith.constant 640 : i32
    %mul3A_9 = arith.muli %arg1, %mul3A_8 : i32
    %mul3A_10 = arith.constant 640 : i32
    %mul3A_11 = arith.muli %arg1, %mul3A_10 : i32
    %dma_start3A_12 = arith.constant 0 : i32
    %dma_start3A_13 = tpu.memref_slice %arg8[%mul3A_11, %dma_start3A_12] : memref<10240x16xf32, #tpu.memory_space<vmem_shared>> -> memref<640x16xf32, #tpu.memory_space<vmem_shared>>
    %dma_start3A_14 = arith.constant 0 : i32
    %dma_start3A_15 = tpu.memref_slice %arg4[%mul3A_9, %dma_start3A_14] : memref<10240x16xf32, #tpu.memory_space<hbm>> -> memref<640x16xf32, #tpu.memory_space<hbm>>
    tpu.enqueue_dma source(%dma_start3A_15 : memref<640x16xf32, #tpu.memory_space<hbm>>) target(%dma_start3A_13 : memref<640x16xf32, #tpu.memory_space<vmem_shared>>) target_semaphore(%arg11 : memref<!tpu.dma_semaphore, #tpu.memory_space<semaphore_mem>>)
    %dma_wait3A = arith.constant 0 : i32
    %dma_wait3A_16 = arith.constant 0 : i32
    %dma_wait3A_17 = tpu.memref_slice %arg2[%add3A, %dma_wait3A, %dma_wait3A_16] : memref<32x40x256xi32, #tpu.memory_space<hbm>> -> memref<1x40x256xi32, #tpu.memory_space<hbm>>
    %dma_wait3A_18 = tpu.memref_squeeze %dma_wait3A_17 : memref<1x40x256xi32, #tpu.memory_space<hbm>> -> memref<40x256xi32, #tpu.memory_space<hbm>>
    %dma_wait3A_19 = arith.constant 0 : i32
    %dma_wait3A_20 = arith.constant 0 : i32
    %dma_wait3A_21 = tpu.memref_slice %arg2[%add3A, %dma_wait3A_19, %dma_wait3A_20] : memref<32x40x256xi32, #tpu.memory_space<hbm>> -> memref<1x40x256xi32, #tpu.memory_space<hbm>>
    %dma_wait3A_22 = tpu.memref_squeeze %dma_wait3A_21 : memref<1x40x256xi32, #tpu.memory_space<hbm>> -> memref<40x256xi32, #tpu.memory_space<hbm>>
    tpu.wait_dma2 semaphore(%arg9 : memref<!tpu.dma_semaphore, #tpu.memory_space<semaphore_mem>>) src(%dma_wait3A_22 : memref<40x256xi32, #tpu.memory_space<hbm>>) dst(%arg6 : memref<40x256xi32, #tpu.memory_space<vmem>>)
    tpu.wait_dma2 semaphore(%arg10 : memref<!tpu.dma_semaphore, #tpu.memory_space<semaphore_mem>>) src(%arg3 : memref<256x16xf32, #tpu.memory_space<hbm>>) dst(%arg7 : memref<256x16xf32, #tpu.memory_space<vmem>>)
    %dma_wait3A_23 = arith.constant 0 : i32
    %dma_wait3A_24 = tpu.memref_slice %arg8[%mul3A_11, %dma_wait3A_23] : memref<10240x16xf32, #tpu.memory_space<vmem_shared>> -> memref<640x16xf32, #tpu.memory_space<vmem_shared>>
    %dma_wait3A_25 = arith.constant 0 : i32
    %dma_wait3A_26 = tpu.memref_slice %arg4[%mul3A_9, %dma_wait3A_25] : memref<10240x16xf32, #tpu.memory_space<hbm>> -> memref<640x16xf32, #tpu.memory_space<hbm>>
    tpu.wait_dma2 semaphore(%arg11 : memref<!tpu.dma_semaphore, #tpu.memory_space<semaphore_mem>>) src(%dma_wait3A_26 : memref<640x16xf32, #tpu.memory_space<hbm>>) dst(%dma_wait3A_24 : memref<640x16xf32, #tpu.memory_space<vmem_shared>>)
    %barrier3A = arith.constant 0 : index
    tpu.barrier barrier_id(%barrier3A)
    %scan3A = arith.constant 0 : i32
    %scan3A_27 = arith.constant 0 : i32
    %scan3A_28 = arith.constant 40 : i32
    %scan3A_29 = arith.addi %scan3A_27, %scan3A_28 : i32
    %scan3A_30 = arith.constant 1 : i32
    scf.for %scan3A_37 = %scan3A_27 to %scan3A_29 step %scan3A_30  : i32 {
      "tpu.region"() ({
        %run_scoped3A = tpu.sem_alloc : memref<!tpu.dma_semaphore, #tpu.memory_space<semaphore_mem>>
        %dma_start3A_38 = arith.constant 0 : i32
        %dma_start3A_39 = tpu.memref_slice %arg6[%scan3A_37, %dma_start3A_38] : memref<40x256xi32, #tpu.memory_space<vmem>> -> memref<1x256xi32, #tpu.memory_space<vmem>>
        %dma_start3A_40 = tpu.memref_squeeze %dma_start3A_39 : memref<1x256xi32, #tpu.memory_space<vmem>> -> memref<256xi32, #tpu.memory_space<vmem>>
        %dma_start3A_41 = arith.constant 0 : i32
        %dma_start3A_42 = arith.constant 0 : i32
        %dma_start3A_43 = tpu.memref_slice %arg8[%dma_start3A_41, %dma_start3A_42] : memref<10240x16xf32, #tpu.memory_space<vmem_shared>> -> memref<10240x16xf32, #tpu.memory_space<vmem_shared>>
        tpu.enqueue_indirect_dma source(%arg7 : memref<256x16xf32, #tpu.memory_space<vmem>>) target(%dma_start3A_43 : memref<10240x16xf32, #tpu.memory_space<vmem_shared>>) offsets(%dma_start3A_40 : memref<256xi32, #tpu.memory_space<vmem>>) semaphore(%run_scoped3A : memref<!tpu.dma_semaphore, #tpu.memory_space<semaphore_mem>>) {add = true}
        %dma_wait3A_44 = arith.constant 0 : i32
        %dma_wait3A_45 = tpu.memref_slice %arg6[%scan3A_37, %dma_wait3A_44] : memref<40x256xi32, #tpu.memory_space<vmem>> -> memref<1x256xi32, #tpu.memory_space<vmem>>
        %dma_wait3A_46 = tpu.memref_squeeze %dma_wait3A_45 : memref<1x256xi32, #tpu.memory_space<vmem>> -> memref<256xi32, #tpu.memory_space<vmem>>
        %dma_wait3A_47 = arith.constant 0 : i32
        %dma_wait3A_48 = arith.constant 0 : i32
        %dma_wait3A_49 = tpu.memref_slice %arg8[%dma_wait3A_47, %dma_wait3A_48] : memref<10240x16xf32, #tpu.memory_space<vmem_shared>> -> memref<10240x16xf32, #tpu.memory_space<vmem_shared>>
        tpu.wait_indirect_dma semaphore(%run_scoped3A : memref<!tpu.dma_semaphore, #tpu.memory_space<semaphore_mem>>) src(%arg7 : memref<256x16xf32, #tpu.memory_space<vmem>>) dst(%dma_wait3A_49 : memref<10240x16xf32, #tpu.memory_space<vmem_shared>>)
        tpu.yield
      }) : () -> ()
    }
    %scan3A_31 = arith.constant 40 : i32
    %barrier3A_32 = arith.constant 0 : index
    tpu.barrier barrier_id(%barrier3A_32)
    %mul3A_33 = arith.constant 640 : i32
    %mul3A_34 = arith.muli %arg1, %mul3A_33 : i32
    %mul3A_35 = arith.constant 640 : i32
    %mul3A_36 = arith.muli %arg1, %mul3A_35 : i32
    "tpu.region"() ({
      %run_scoped3A = tpu.sem_alloc : memref<!tpu.dma_semaphore, #tpu.memory_space<semaphore_mem>>
      %dma_start3A_37 = arith.constant 0 : i32
      %dma_start3A_38 = tpu.memref_slice %arg5[%arg0, %mul3A_36, %dma_start3A_37] : memref<2x10240x16xf32, #tpu.memory_space<hbm>> -> memref<1x640x16xf32, #tpu.memory_space<hbm>>
      %dma_start3A_39 = tpu.memref_squeeze %dma_start3A_38 : memref<1x640x16xf32, #tpu.memory_space<hbm>> -> memref<640x16xf32, #tpu.memory_space<hbm>>
      %dma_start3A_40 = arith.constant 0 : i32
      %dma_start3A_41 = tpu.memref_slice %arg8[%mul3A_34, %dma_start3A_40] : memref<10240x16xf32, #tpu.memory_space<vmem_shared>> -> memref<640x16xf32, #tpu.memory_space<vmem_shared>>
      tpu.enqueue_dma source(%dma_start3A_41 : memref<640x16xf32, #tpu.memory_space<vmem_shared>>) target(%dma_start3A_39 : memref<640x16xf32, #tpu.memory_space<hbm>>) target_semaphore(%run_scoped3A : memref<!tpu.dma_semaphore, #tpu.memory_space<semaphore_mem>>)
      %dma_wait3A_42 = arith.constant 0 : i32
      %dma_wait3A_43 = tpu.memref_slice %arg5[%arg0, %mul3A_36, %dma_wait3A_42] : memref<2x10240x16xf32, #tpu.memory_space<hbm>> -> memref<1x640x16xf32, #tpu.memory_space<hbm>>
      %dma_wait3A_44 = tpu.memref_squeeze %dma_wait3A_43 : memref<1x640x16xf32, #tpu.memory_space<hbm>> -> memref<640x16xf32, #tpu.memory_space<hbm>>
      %dma_wait3A_45 = arith.constant 0 : i32
      %dma_wait3A_46 = tpu.memref_slice %arg8[%mul3A_34, %dma_wait3A_45] : memref<10240x16xf32, #tpu.memory_space<vmem_shared>> -> memref<640x16xf32, #tpu.memory_space<vmem_shared>>
      tpu.wait_dma2 semaphore(%run_scoped3A : memref<!tpu.dma_semaphore, #tpu.memory_space<semaphore_mem>>) src(%dma_wait3A_46 : memref<640x16xf32, #tpu.memory_space<vmem_shared>>) dst(%dma_wait3A_44 : memref<640x16xf32, #tpu.memory_space<hbm>>)
      tpu.yield
    }) : () -> ()
    return
  }
}

#map = affine_map<(d0, d1) -> (0, 0)>
#map1 = affine_map<(d0, d1) -> (0, 0, 0)>
module attributes {stable_mosaic.version = 14 : i64} {
  func.func @_prop_body(%arg0: i32, %arg1: i32, %arg2: memref<10240x32xf32, #tpu.memory_space<hbm>>, %arg3: memref<32x80x128xi32, #tpu.memory_space<hbm>>, %arg4: memref<32x80x128xi32, #tpu.memory_space<hbm>>, %arg5: memref<10240x32xf32, #tpu.memory_space<hbm>>, %arg6: memref<2x10240x32xf32, #tpu.memory_space<hbm>>, %arg7: memref<80x128xi32, #tpu.memory_space<vmem>>, %arg8: memref<80x128xi32, #tpu.memory_space<vmem>>, %arg9: memref<128x32xf32, #tpu.memory_space<vmem>>, %arg10: memref<128x32xf32, #tpu.memory_space<vmem>>, %arg11: memref<128x32xf32, #tpu.memory_space<vmem>>, %arg12: memref<128x32xf32, #tpu.memory_space<vmem>>, %arg13: memref<10240x32xf32, #tpu.memory_space<vmem_shared>>, %arg14: memref<10240x32xf32, #tpu.memory_space<vmem_shared>>, %arg15: memref<!tpu.dma_semaphore, #tpu.memory_space<semaphore_mem>>, %arg16: memref<!tpu.dma_semaphore, #tpu.memory_space<semaphore_mem>>, %arg17: memref<!tpu.dma_semaphore, #tpu.memory_space<semaphore_mem>>, %arg18: memref<!tpu.dma_semaphore, #tpu.memory_space<semaphore_mem>>) attributes {dimension_semantics = [#tpu.dimension_semantics<core_parallel>, #tpu.dimension_semantics<subcore_parallel>], iteration_bounds = array<i64: 2, 16>, scalar_prefetch = 0 : i64, scratch_operands = 12 : i64, tpu.core_type = #tpu.core_type<sc_vector_subcore>, window_params = [{transform_indices = #map}, {transform_indices = #map1}, {transform_indices = #map1}, {transform_indices = #map}, {transform_indices = #map1}]} {
    %mul3A = arith.constant 16 : i32
    %mul3A_0 = arith.muli %arg0, %mul3A : i32
    %add3A = arith.addi %mul3A_0, %arg1 : i32
    %dma_start3A = arith.constant 0 : i32
    %dma_start3A_1 = arith.constant 0 : i32
    %dma_start3A_2 = tpu.memref_slice %arg3[%add3A, %dma_start3A, %dma_start3A_1] : memref<32x80x128xi32, #tpu.memory_space<hbm>> -> memref<1x80x128xi32, #tpu.memory_space<hbm>>
    %dma_start3A_3 = tpu.memref_squeeze %dma_start3A_2 : memref<1x80x128xi32, #tpu.memory_space<hbm>> -> memref<80x128xi32, #tpu.memory_space<hbm>>
    %dma_start3A_4 = arith.constant 0 : i32
    %dma_start3A_5 = arith.constant 0 : i32
    %dma_start3A_6 = tpu.memref_slice %arg3[%add3A, %dma_start3A_4, %dma_start3A_5] : memref<32x80x128xi32, #tpu.memory_space<hbm>> -> memref<1x80x128xi32, #tpu.memory_space<hbm>>
    %dma_start3A_7 = tpu.memref_squeeze %dma_start3A_6 : memref<1x80x128xi32, #tpu.memory_space<hbm>> -> memref<80x128xi32, #tpu.memory_space<hbm>>
    tpu.enqueue_dma source(%dma_start3A_7 : memref<80x128xi32, #tpu.memory_space<hbm>>) target(%arg7 : memref<80x128xi32, #tpu.memory_space<vmem>>) target_semaphore(%arg15 : memref<!tpu.dma_semaphore, #tpu.memory_space<semaphore_mem>>)
    %dma_start3A_8 = arith.constant 0 : i32
    %dma_start3A_9 = arith.constant 0 : i32
    %dma_start3A_10 = tpu.memref_slice %arg4[%add3A, %dma_start3A_8, %dma_start3A_9] : memref<32x80x128xi32, #tpu.memory_space<hbm>> -> memref<1x80x128xi32, #tpu.memory_space<hbm>>
    %dma_start3A_11 = tpu.memref_squeeze %dma_start3A_10 : memref<1x80x128xi32, #tpu.memory_space<hbm>> -> memref<80x128xi32, #tpu.memory_space<hbm>>
    %dma_start3A_12 = arith.constant 0 : i32
    %dma_start3A_13 = arith.constant 0 : i32
    %dma_start3A_14 = tpu.memref_slice %arg4[%add3A, %dma_start3A_12, %dma_start3A_13] : memref<32x80x128xi32, #tpu.memory_space<hbm>> -> memref<1x80x128xi32, #tpu.memory_space<hbm>>
    %dma_start3A_15 = tpu.memref_squeeze %dma_start3A_14 : memref<1x80x128xi32, #tpu.memory_space<hbm>> -> memref<80x128xi32, #tpu.memory_space<hbm>>
    tpu.enqueue_dma source(%dma_start3A_15 : memref<80x128xi32, #tpu.memory_space<hbm>>) target(%arg8 : memref<80x128xi32, #tpu.memory_space<vmem>>) target_semaphore(%arg16 : memref<!tpu.dma_semaphore, #tpu.memory_space<semaphore_mem>>)
    %mul3A_16 = arith.constant 640 : i32
    %mul3A_17 = arith.muli %arg1, %mul3A_16 : i32
    %mul3A_18 = arith.constant 640 : i32
    %mul3A_19 = arith.muli %arg1, %mul3A_18 : i32
    %dma_start3A_20 = arith.constant 0 : i32
    %dma_start3A_21 = tpu.memref_slice %arg13[%mul3A_19, %dma_start3A_20] : memref<10240x32xf32, #tpu.memory_space<vmem_shared>> -> memref<640x32xf32, #tpu.memory_space<vmem_shared>>
    %dma_start3A_22 = arith.constant 0 : i32
    %dma_start3A_23 = tpu.memref_slice %arg5[%mul3A_17, %dma_start3A_22] : memref<10240x32xf32, #tpu.memory_space<hbm>> -> memref<640x32xf32, #tpu.memory_space<hbm>>
    tpu.enqueue_dma source(%dma_start3A_23 : memref<640x32xf32, #tpu.memory_space<hbm>>) target(%dma_start3A_21 : memref<640x32xf32, #tpu.memory_space<vmem_shared>>) target_semaphore(%arg17 : memref<!tpu.dma_semaphore, #tpu.memory_space<semaphore_mem>>)
    %mul3A_24 = arith.constant 640 : i32
    %mul3A_25 = arith.muli %arg1, %mul3A_24 : i32
    %mul3A_26 = arith.constant 640 : i32
    %mul3A_27 = arith.muli %arg1, %mul3A_26 : i32
    %dma_start3A_28 = arith.constant 0 : i32
    %dma_start3A_29 = tpu.memref_slice %arg14[%mul3A_27, %dma_start3A_28] : memref<10240x32xf32, #tpu.memory_space<vmem_shared>> -> memref<640x32xf32, #tpu.memory_space<vmem_shared>>
    %dma_start3A_30 = arith.constant 0 : i32
    %dma_start3A_31 = tpu.memref_slice %arg2[%mul3A_25, %dma_start3A_30] : memref<10240x32xf32, #tpu.memory_space<hbm>> -> memref<640x32xf32, #tpu.memory_space<hbm>>
    tpu.enqueue_dma source(%dma_start3A_31 : memref<640x32xf32, #tpu.memory_space<hbm>>) target(%dma_start3A_29 : memref<640x32xf32, #tpu.memory_space<vmem_shared>>) target_semaphore(%arg18 : memref<!tpu.dma_semaphore, #tpu.memory_space<semaphore_mem>>)
    %dma_wait3A = arith.constant 0 : i32
    %dma_wait3A_32 = arith.constant 0 : i32
    %dma_wait3A_33 = tpu.memref_slice %arg3[%add3A, %dma_wait3A, %dma_wait3A_32] : memref<32x80x128xi32, #tpu.memory_space<hbm>> -> memref<1x80x128xi32, #tpu.memory_space<hbm>>
    %dma_wait3A_34 = tpu.memref_squeeze %dma_wait3A_33 : memref<1x80x128xi32, #tpu.memory_space<hbm>> -> memref<80x128xi32, #tpu.memory_space<hbm>>
    %dma_wait3A_35 = arith.constant 0 : i32
    %dma_wait3A_36 = arith.constant 0 : i32
    %dma_wait3A_37 = tpu.memref_slice %arg3[%add3A, %dma_wait3A_35, %dma_wait3A_36] : memref<32x80x128xi32, #tpu.memory_space<hbm>> -> memref<1x80x128xi32, #tpu.memory_space<hbm>>
    %dma_wait3A_38 = tpu.memref_squeeze %dma_wait3A_37 : memref<1x80x128xi32, #tpu.memory_space<hbm>> -> memref<80x128xi32, #tpu.memory_space<hbm>>
    tpu.wait_dma2 semaphore(%arg15 : memref<!tpu.dma_semaphore, #tpu.memory_space<semaphore_mem>>) src(%dma_wait3A_38 : memref<80x128xi32, #tpu.memory_space<hbm>>) dst(%arg7 : memref<80x128xi32, #tpu.memory_space<vmem>>)
    %dma_wait3A_39 = arith.constant 0 : i32
    %dma_wait3A_40 = arith.constant 0 : i32
    %dma_wait3A_41 = tpu.memref_slice %arg4[%add3A, %dma_wait3A_39, %dma_wait3A_40] : memref<32x80x128xi32, #tpu.memory_space<hbm>> -> memref<1x80x128xi32, #tpu.memory_space<hbm>>
    %dma_wait3A_42 = tpu.memref_squeeze %dma_wait3A_41 : memref<1x80x128xi32, #tpu.memory_space<hbm>> -> memref<80x128xi32, #tpu.memory_space<hbm>>
    %dma_wait3A_43 = arith.constant 0 : i32
    %dma_wait3A_44 = arith.constant 0 : i32
    %dma_wait3A_45 = tpu.memref_slice %arg4[%add3A, %dma_wait3A_43, %dma_wait3A_44] : memref<32x80x128xi32, #tpu.memory_space<hbm>> -> memref<1x80x128xi32, #tpu.memory_space<hbm>>
    %dma_wait3A_46 = tpu.memref_squeeze %dma_wait3A_45 : memref<1x80x128xi32, #tpu.memory_space<hbm>> -> memref<80x128xi32, #tpu.memory_space<hbm>>
    tpu.wait_dma2 semaphore(%arg16 : memref<!tpu.dma_semaphore, #tpu.memory_space<semaphore_mem>>) src(%dma_wait3A_46 : memref<80x128xi32, #tpu.memory_space<hbm>>) dst(%arg8 : memref<80x128xi32, #tpu.memory_space<vmem>>)
    %dma_wait3A_47 = arith.constant 0 : i32
    %dma_wait3A_48 = tpu.memref_slice %arg13[%mul3A_19, %dma_wait3A_47] : memref<10240x32xf32, #tpu.memory_space<vmem_shared>> -> memref<640x32xf32, #tpu.memory_space<vmem_shared>>
    %dma_wait3A_49 = arith.constant 0 : i32
    %dma_wait3A_50 = tpu.memref_slice %arg5[%mul3A_17, %dma_wait3A_49] : memref<10240x32xf32, #tpu.memory_space<hbm>> -> memref<640x32xf32, #tpu.memory_space<hbm>>
    tpu.wait_dma2 semaphore(%arg17 : memref<!tpu.dma_semaphore, #tpu.memory_space<semaphore_mem>>) src(%dma_wait3A_50 : memref<640x32xf32, #tpu.memory_space<hbm>>) dst(%dma_wait3A_48 : memref<640x32xf32, #tpu.memory_space<vmem_shared>>)
    %dma_wait3A_51 = arith.constant 0 : i32
    %dma_wait3A_52 = tpu.memref_slice %arg14[%mul3A_27, %dma_wait3A_51] : memref<10240x32xf32, #tpu.memory_space<vmem_shared>> -> memref<640x32xf32, #tpu.memory_space<vmem_shared>>
    %dma_wait3A_53 = arith.constant 0 : i32
    %dma_wait3A_54 = tpu.memref_slice %arg2[%mul3A_25, %dma_wait3A_53] : memref<10240x32xf32, #tpu.memory_space<hbm>> -> memref<640x32xf32, #tpu.memory_space<hbm>>
    tpu.wait_dma2 semaphore(%arg18 : memref<!tpu.dma_semaphore, #tpu.memory_space<semaphore_mem>>) src(%dma_wait3A_54 : memref<640x32xf32, #tpu.memory_space<hbm>>) dst(%dma_wait3A_52 : memref<640x32xf32, #tpu.memory_space<vmem_shared>>)
    %barrier3A = arith.constant 0 : index
    tpu.barrier barrier_id(%barrier3A)
    %dma_start3A_55 = arith.constant 0 : i32
    %dma_start3A_56 = arith.constant 0 : i32
    %dma_start3A_57 = tpu.memref_slice %arg7[%dma_start3A_55, %dma_start3A_56] : memref<80x128xi32, #tpu.memory_space<vmem>> -> memref<1x128xi32, #tpu.memory_space<vmem>>
    %dma_start3A_58 = tpu.memref_squeeze %dma_start3A_57 : memref<1x128xi32, #tpu.memory_space<vmem>> -> memref<128xi32, #tpu.memory_space<vmem>>
    %dma_start3A_59 = arith.constant 0 : i32
    %dma_start3A_60 = arith.constant 0 : i32
    %dma_start3A_61 = tpu.memref_slice %arg14[%dma_start3A_59, %dma_start3A_60] : memref<10240x32xf32, #tpu.memory_space<vmem_shared>> -> memref<10240x32xf32, #tpu.memory_space<vmem_shared>>
    tpu.enqueue_indirect_dma source(%dma_start3A_61 : memref<10240x32xf32, #tpu.memory_space<vmem_shared>>) target(%arg9 : memref<128x32xf32, #tpu.memory_space<vmem>>) offsets(%dma_start3A_58 : memref<128xi32, #tpu.memory_space<vmem>>) semaphore(%arg15 : memref<!tpu.dma_semaphore, #tpu.memory_space<semaphore_mem>>)
    %dma_start3A_62 = arith.constant 1 : i32
    %dma_start3A_63 = arith.constant 0 : i32
    %dma_start3A_64 = tpu.memref_slice %arg7[%dma_start3A_62, %dma_start3A_63] : memref<80x128xi32, #tpu.memory_space<vmem>> -> memref<1x128xi32, #tpu.memory_space<vmem>>
    %dma_start3A_65 = tpu.memref_squeeze %dma_start3A_64 : memref<1x128xi32, #tpu.memory_space<vmem>> -> memref<128xi32, #tpu.memory_space<vmem>>
    %dma_start3A_66 = arith.constant 0 : i32
    %dma_start3A_67 = arith.constant 0 : i32
    %dma_start3A_68 = tpu.memref_slice %arg14[%dma_start3A_66, %dma_start3A_67] : memref<10240x32xf32, #tpu.memory_space<vmem_shared>> -> memref<10240x32xf32, #tpu.memory_space<vmem_shared>>
    tpu.enqueue_indirect_dma source(%dma_start3A_68 : memref<10240x32xf32, #tpu.memory_space<vmem_shared>>) target(%arg10 : memref<128x32xf32, #tpu.memory_space<vmem>>) offsets(%dma_start3A_65 : memref<128xi32, #tpu.memory_space<vmem>>) semaphore(%arg16 : memref<!tpu.dma_semaphore, #tpu.memory_space<semaphore_mem>>)
    %dma_start3A_69 = arith.constant 2 : i32
    %dma_start3A_70 = arith.constant 0 : i32
    %dma_start3A_71 = tpu.memref_slice %arg7[%dma_start3A_69, %dma_start3A_70] : memref<80x128xi32, #tpu.memory_space<vmem>> -> memref<1x128xi32, #tpu.memory_space<vmem>>
    %dma_start3A_72 = tpu.memref_squeeze %dma_start3A_71 : memref<1x128xi32, #tpu.memory_space<vmem>> -> memref<128xi32, #tpu.memory_space<vmem>>
    %dma_start3A_73 = arith.constant 0 : i32
    %dma_start3A_74 = arith.constant 0 : i32
    %dma_start3A_75 = tpu.memref_slice %arg14[%dma_start3A_73, %dma_start3A_74] : memref<10240x32xf32, #tpu.memory_space<vmem_shared>> -> memref<10240x32xf32, #tpu.memory_space<vmem_shared>>
    tpu.enqueue_indirect_dma source(%dma_start3A_75 : memref<10240x32xf32, #tpu.memory_space<vmem_shared>>) target(%arg11 : memref<128x32xf32, #tpu.memory_space<vmem>>) offsets(%dma_start3A_72 : memref<128xi32, #tpu.memory_space<vmem>>) semaphore(%arg17 : memref<!tpu.dma_semaphore, #tpu.memory_space<semaphore_mem>>)
    %scan3A = arith.constant 0 : i32
    %scan3A_76 = arith.constant 0 : i32
    %scan3A_77 = arith.constant 20 : i32
    %scan3A_78 = arith.addi %scan3A_76, %scan3A_77 : i32
    %scan3A_79 = arith.constant 1 : i32
    scf.for %scan3A_86 = %scan3A_76 to %scan3A_78 step %scan3A_79  : i32 {
      %mul3A_87 = arith.constant 4 : i32
      %mul3A_88 = arith.muli %scan3A_86, %mul3A_87 : i32
      %add3A_89 = arith.constant 3 : i32
      %add3A_90 = arith.addi %mul3A_88, %add3A_89 : i32
      %dma_start3A_91 = arith.constant 0 : i32
      %dma_start3A_92 = tpu.memref_slice %arg7[%add3A_90, %dma_start3A_91] : memref<80x128xi32, #tpu.memory_space<vmem>> -> memref<1x128xi32, #tpu.memory_space<vmem>>
      %dma_start3A_93 = tpu.memref_squeeze %dma_start3A_92 : memref<1x128xi32, #tpu.memory_space<vmem>> -> memref<128xi32, #tpu.memory_space<vmem>>
      %dma_start3A_94 = arith.constant 0 : i32
      %dma_start3A_95 = arith.constant 0 : i32
      %dma_start3A_96 = tpu.memref_slice %arg14[%dma_start3A_94, %dma_start3A_95] : memref<10240x32xf32, #tpu.memory_space<vmem_shared>> -> memref<10240x32xf32, #tpu.memory_space<vmem_shared>>
      tpu.enqueue_indirect_dma source(%dma_start3A_96 : memref<10240x32xf32, #tpu.memory_space<vmem_shared>>) target(%arg12 : memref<128x32xf32, #tpu.memory_space<vmem>>) offsets(%dma_start3A_93 : memref<128xi32, #tpu.memory_space<vmem>>) semaphore(%arg18 : memref<!tpu.dma_semaphore, #tpu.memory_space<semaphore_mem>>)
      %dma_wait3A_97 = arith.constant 0 : i32
      %dma_wait3A_98 = tpu.memref_slice %arg7[%mul3A_88, %dma_wait3A_97] : memref<80x128xi32, #tpu.memory_space<vmem>> -> memref<1x128xi32, #tpu.memory_space<vmem>>
      %dma_wait3A_99 = tpu.memref_squeeze %dma_wait3A_98 : memref<1x128xi32, #tpu.memory_space<vmem>> -> memref<128xi32, #tpu.memory_space<vmem>>
      %dma_wait3A_100 = arith.constant 0 : i32
      %dma_wait3A_101 = arith.constant 0 : i32
      %dma_wait3A_102 = tpu.memref_slice %arg14[%dma_wait3A_100, %dma_wait3A_101] : memref<10240x32xf32, #tpu.memory_space<vmem_shared>> -> memref<10240x32xf32, #tpu.memory_space<vmem_shared>>
      tpu.wait_indirect_dma semaphore(%arg15 : memref<!tpu.dma_semaphore, #tpu.memory_space<semaphore_mem>>) src(%dma_wait3A_102 : memref<10240x32xf32, #tpu.memory_space<vmem_shared>>) dst(%arg9 : memref<128x32xf32, #tpu.memory_space<vmem>>)
      "tpu.region"() ({
        %run_scoped3A = tpu.sem_alloc : memref<!tpu.dma_semaphore, #tpu.memory_space<semaphore_mem>>
        %dma_start3A_151 = arith.constant 0 : i32
        %dma_start3A_152 = tpu.memref_slice %arg8[%mul3A_88, %dma_start3A_151] : memref<80x128xi32, #tpu.memory_space<vmem>> -> memref<1x128xi32, #tpu.memory_space<vmem>>
        %dma_start3A_153 = tpu.memref_squeeze %dma_start3A_152 : memref<1x128xi32, #tpu.memory_space<vmem>> -> memref<128xi32, #tpu.memory_space<vmem>>
        %dma_start3A_154 = arith.constant 0 : i32
        %dma_start3A_155 = arith.constant 0 : i32
        %dma_start3A_156 = tpu.memref_slice %arg13[%dma_start3A_154, %dma_start3A_155] : memref<10240x32xf32, #tpu.memory_space<vmem_shared>> -> memref<10240x32xf32, #tpu.memory_space<vmem_shared>>
        tpu.enqueue_indirect_dma source(%arg9 : memref<128x32xf32, #tpu.memory_space<vmem>>) target(%dma_start3A_156 : memref<10240x32xf32, #tpu.memory_space<vmem_shared>>) offsets(%dma_start3A_153 : memref<128xi32, #tpu.memory_space<vmem>>) semaphore(%run_scoped3A : memref<!tpu.dma_semaphore, #tpu.memory_space<semaphore_mem>>) {add = true}
        %dma_wait3A_157 = arith.constant 0 : i32
        %dma_wait3A_158 = tpu.memref_slice %arg8[%mul3A_88, %dma_wait3A_157] : memref<80x128xi32, #tpu.memory_space<vmem>> -> memref<1x128xi32, #tpu.memory_space<vmem>>
        %dma_wait3A_159 = tpu.memref_squeeze %dma_wait3A_158 : memref<1x128xi32, #tpu.memory_space<vmem>> -> memref<128xi32, #tpu.memory_space<vmem>>
        %dma_wait3A_160 = arith.constant 0 : i32
        %dma_wait3A_161 = arith.constant 0 : i32
        %dma_wait3A_162 = tpu.memref_slice %arg13[%dma_wait3A_160, %dma_wait3A_161] : memref<10240x32xf32, #tpu.memory_space<vmem_shared>> -> memref<10240x32xf32, #tpu.memory_space<vmem_shared>>
        tpu.wait_indirect_dma semaphore(%run_scoped3A : memref<!tpu.dma_semaphore, #tpu.memory_space<semaphore_mem>>) src(%arg9 : memref<128x32xf32, #tpu.memory_space<vmem>>) dst(%dma_wait3A_162 : memref<10240x32xf32, #tpu.memory_space<vmem_shared>>)
        tpu.yield
      }) : () -> ()
      %add3A_103 = arith.constant 1 : i32
      %add3A_104 = arith.addi %scan3A_86, %add3A_103 : i32
      %lt3A = arith.constant 20 : i32
      %lt3A_105 = arith.cmpi slt, %add3A_104, %lt3A : i32
      %convert_element_type3A = arith.extui %lt3A_105 : i1 to i32
      %cond3A = arith.constant 0 : i32
      %cond3A_106 = arith.cmpi ne, %convert_element_type3A, %cond3A : i32
      scf.if %cond3A_106 {
        %add3A_151 = arith.constant 4 : i32
        %add3A_152 = arith.addi %mul3A_88, %add3A_151 : i32
        %dma_start3A_153 = arith.constant 0 : i32
        %dma_start3A_154 = tpu.memref_slice %arg7[%add3A_152, %dma_start3A_153] : memref<80x128xi32, #tpu.memory_space<vmem>> -> memref<1x128xi32, #tpu.memory_space<vmem>>
        %dma_start3A_155 = tpu.memref_squeeze %dma_start3A_154 : memref<1x128xi32, #tpu.memory_space<vmem>> -> memref<128xi32, #tpu.memory_space<vmem>>
        %dma_start3A_156 = arith.constant 0 : i32
        %dma_start3A_157 = arith.constant 0 : i32
        %dma_start3A_158 = tpu.memref_slice %arg14[%dma_start3A_156, %dma_start3A_157] : memref<10240x32xf32, #tpu.memory_space<vmem_shared>> -> memref<10240x32xf32, #tpu.memory_space<vmem_shared>>
        tpu.enqueue_indirect_dma source(%dma_start3A_158 : memref<10240x32xf32, #tpu.memory_space<vmem_shared>>) target(%arg9 : memref<128x32xf32, #tpu.memory_space<vmem>>) offsets(%dma_start3A_155 : memref<128xi32, #tpu.memory_space<vmem>>) semaphore(%arg15 : memref<!tpu.dma_semaphore, #tpu.memory_space<semaphore_mem>>)
      } else {
      }
      %add3A_107 = arith.constant 1 : i32
      %add3A_108 = arith.addi %mul3A_88, %add3A_107 : i32
      %dma_wait3A_109 = arith.constant 0 : i32
      %dma_wait3A_110 = tpu.memref_slice %arg7[%add3A_108, %dma_wait3A_109] : memref<80x128xi32, #tpu.memory_space<vmem>> -> memref<1x128xi32, #tpu.memory_space<vmem>>
      %dma_wait3A_111 = tpu.memref_squeeze %dma_wait3A_110 : memref<1x128xi32, #tpu.memory_space<vmem>> -> memref<128xi32, #tpu.memory_space<vmem>>
      %dma_wait3A_112 = arith.constant 0 : i32
      %dma_wait3A_113 = arith.constant 0 : i32
      %dma_wait3A_114 = tpu.memref_slice %arg14[%dma_wait3A_112, %dma_wait3A_113] : memref<10240x32xf32, #tpu.memory_space<vmem_shared>> -> memref<10240x32xf32, #tpu.memory_space<vmem_shared>>
      tpu.wait_indirect_dma semaphore(%arg16 : memref<!tpu.dma_semaphore, #tpu.memory_space<semaphore_mem>>) src(%dma_wait3A_114 : memref<10240x32xf32, #tpu.memory_space<vmem_shared>>) dst(%arg10 : memref<128x32xf32, #tpu.memory_space<vmem>>)
      %add3A_115 = arith.constant 1 : i32
      %add3A_116 = arith.addi %mul3A_88, %add3A_115 : i32
      "tpu.region"() ({
        %run_scoped3A = tpu.sem_alloc : memref<!tpu.dma_semaphore, #tpu.memory_space<semaphore_mem>>
        %dma_start3A_151 = arith.constant 0 : i32
        %dma_start3A_152 = tpu.memref_slice %arg8[%add3A_116, %dma_start3A_151] : memref<80x128xi32, #tpu.memory_space<vmem>> -> memref<1x128xi32, #tpu.memory_space<vmem>>
        %dma_start3A_153 = tpu.memref_squeeze %dma_start3A_152 : memref<1x128xi32, #tpu.memory_space<vmem>> -> memref<128xi32, #tpu.memory_space<vmem>>
        %dma_start3A_154 = arith.constant 0 : i32
        %dma_start3A_155 = arith.constant 0 : i32
        %dma_start3A_156 = tpu.memref_slice %arg13[%dma_start3A_154, %dma_start3A_155] : memref<10240x32xf32, #tpu.memory_space<vmem_shared>> -> memref<10240x32xf32, #tpu.memory_space<vmem_shared>>
        tpu.enqueue_indirect_dma source(%arg10 : memref<128x32xf32, #tpu.memory_space<vmem>>) target(%dma_start3A_156 : memref<10240x32xf32, #tpu.memory_space<vmem_shared>>) offsets(%dma_start3A_153 : memref<128xi32, #tpu.memory_space<vmem>>) semaphore(%run_scoped3A : memref<!tpu.dma_semaphore, #tpu.memory_space<semaphore_mem>>) {add = true}
        %dma_wait3A_157 = arith.constant 0 : i32
        %dma_wait3A_158 = tpu.memref_slice %arg8[%add3A_116, %dma_wait3A_157] : memref<80x128xi32, #tpu.memory_space<vmem>> -> memref<1x128xi32, #tpu.memory_space<vmem>>
        %dma_wait3A_159 = tpu.memref_squeeze %dma_wait3A_158 : memref<1x128xi32, #tpu.memory_space<vmem>> -> memref<128xi32, #tpu.memory_space<vmem>>
        %dma_wait3A_160 = arith.constant 0 : i32
        %dma_wait3A_161 = arith.constant 0 : i32
        %dma_wait3A_162 = tpu.memref_slice %arg13[%dma_wait3A_160, %dma_wait3A_161] : memref<10240x32xf32, #tpu.memory_space<vmem_shared>> -> memref<10240x32xf32, #tpu.memory_space<vmem_shared>>
        tpu.wait_indirect_dma semaphore(%run_scoped3A : memref<!tpu.dma_semaphore, #tpu.memory_space<semaphore_mem>>) src(%arg10 : memref<128x32xf32, #tpu.memory_space<vmem>>) dst(%dma_wait3A_162 : memref<10240x32xf32, #tpu.memory_space<vmem_shared>>)
        tpu.yield
      }) : () -> ()
      %add3A_117 = arith.constant 1 : i32
      %add3A_118 = arith.addi %scan3A_86, %add3A_117 : i32
      %lt3A_119 = arith.constant 20 : i32
      %lt3A_120 = arith.cmpi slt, %add3A_118, %lt3A_119 : i32
      %convert_element_type3A_121 = arith.extui %lt3A_120 : i1 to i32
      %cond3A_122 = arith.constant 0 : i32
      %cond3A_123 = arith.cmpi ne, %convert_element_type3A_121, %cond3A_122 : i32
      scf.if %cond3A_123 {
        %add3A_151 = arith.constant 5 : i32
        %add3A_152 = arith.addi %mul3A_88, %add3A_151 : i32
        %dma_start3A_153 = arith.constant 0 : i32
        %dma_start3A_154 = tpu.memref_slice %arg7[%add3A_152, %dma_start3A_153] : memref<80x128xi32, #tpu.memory_space<vmem>> -> memref<1x128xi32, #tpu.memory_space<vmem>>
        %dma_start3A_155 = tpu.memref_squeeze %dma_start3A_154 : memref<1x128xi32, #tpu.memory_space<vmem>> -> memref<128xi32, #tpu.memory_space<vmem>>
        %dma_start3A_156 = arith.constant 0 : i32
        %dma_start3A_157 = arith.constant 0 : i32
        %dma_start3A_158 = tpu.memref_slice %arg14[%dma_start3A_156, %dma_start3A_157] : memref<10240x32xf32, #tpu.memory_space<vmem_shared>> -> memref<10240x32xf32, #tpu.memory_space<vmem_shared>>
        tpu.enqueue_indirect_dma source(%dma_start3A_158 : memref<10240x32xf32, #tpu.memory_space<vmem_shared>>) target(%arg10 : memref<128x32xf32, #tpu.memory_space<vmem>>) offsets(%dma_start3A_155 : memref<128xi32, #tpu.memory_space<vmem>>) semaphore(%arg16 : memref<!tpu.dma_semaphore, #tpu.memory_space<semaphore_mem>>)
      } else {
      }
      %add3A_124 = arith.constant 2 : i32
      %add3A_125 = arith.addi %mul3A_88, %add3A_124 : i32
      %dma_wait3A_126 = arith.constant 0 : i32
      %dma_wait3A_127 = tpu.memref_slice %arg7[%add3A_125, %dma_wait3A_126] : memref<80x128xi32, #tpu.memory_space<vmem>> -> memref<1x128xi32, #tpu.memory_space<vmem>>
      %dma_wait3A_128 = tpu.memref_squeeze %dma_wait3A_127 : memref<1x128xi32, #tpu.memory_space<vmem>> -> memref<128xi32, #tpu.memory_space<vmem>>
      %dma_wait3A_129 = arith.constant 0 : i32
      %dma_wait3A_130 = arith.constant 0 : i32
      %dma_wait3A_131 = tpu.memref_slice %arg14[%dma_wait3A_129, %dma_wait3A_130] : memref<10240x32xf32, #tpu.memory_space<vmem_shared>> -> memref<10240x32xf32, #tpu.memory_space<vmem_shared>>
      tpu.wait_indirect_dma semaphore(%arg17 : memref<!tpu.dma_semaphore, #tpu.memory_space<semaphore_mem>>) src(%dma_wait3A_131 : memref<10240x32xf32, #tpu.memory_space<vmem_shared>>) dst(%arg11 : memref<128x32xf32, #tpu.memory_space<vmem>>)
      %add3A_132 = arith.constant 2 : i32
      %add3A_133 = arith.addi %mul3A_88, %add3A_132 : i32
      "tpu.region"() ({
        %run_scoped3A = tpu.sem_alloc : memref<!tpu.dma_semaphore, #tpu.memory_space<semaphore_mem>>
        %dma_start3A_151 = arith.constant 0 : i32
        %dma_start3A_152 = tpu.memref_slice %arg8[%add3A_133, %dma_start3A_151] : memref<80x128xi32, #tpu.memory_space<vmem>> -> memref<1x128xi32, #tpu.memory_space<vmem>>
        %dma_start3A_153 = tpu.memref_squeeze %dma_start3A_152 : memref<1x128xi32, #tpu.memory_space<vmem>> -> memref<128xi32, #tpu.memory_space<vmem>>
        %dma_start3A_154 = arith.constant 0 : i32
        %dma_start3A_155 = arith.constant 0 : i32
        %dma_start3A_156 = tpu.memref_slice %arg13[%dma_start3A_154, %dma_start3A_155] : memref<10240x32xf32, #tpu.memory_space<vmem_shared>> -> memref<10240x32xf32, #tpu.memory_space<vmem_shared>>
        tpu.enqueue_indirect_dma source(%arg11 : memref<128x32xf32, #tpu.memory_space<vmem>>) target(%dma_start3A_156 : memref<10240x32xf32, #tpu.memory_space<vmem_shared>>) offsets(%dma_start3A_153 : memref<128xi32, #tpu.memory_space<vmem>>) semaphore(%run_scoped3A : memref<!tpu.dma_semaphore, #tpu.memory_space<semaphore_mem>>) {add = true}
        %dma_wait3A_157 = arith.constant 0 : i32
        %dma_wait3A_158 = tpu.memref_slice %arg8[%add3A_133, %dma_wait3A_157] : memref<80x128xi32, #tpu.memory_space<vmem>> -> memref<1x128xi32, #tpu.memory_space<vmem>>
        %dma_wait3A_159 = tpu.memref_squeeze %dma_wait3A_158 : memref<1x128xi32, #tpu.memory_space<vmem>> -> memref<128xi32, #tpu.memory_space<vmem>>
        %dma_wait3A_160 = arith.constant 0 : i32
        %dma_wait3A_161 = arith.constant 0 : i32
        %dma_wait3A_162 = tpu.memref_slice %arg13[%dma_wait3A_160, %dma_wait3A_161] : memref<10240x32xf32, #tpu.memory_space<vmem_shared>> -> memref<10240x32xf32, #tpu.memory_space<vmem_shared>>
        tpu.wait_indirect_dma semaphore(%run_scoped3A : memref<!tpu.dma_semaphore, #tpu.memory_space<semaphore_mem>>) src(%arg11 : memref<128x32xf32, #tpu.memory_space<vmem>>) dst(%dma_wait3A_162 : memref<10240x32xf32, #tpu.memory_space<vmem_shared>>)
        tpu.yield
      }) : () -> ()
      %add3A_134 = arith.constant 1 : i32
      %add3A_135 = arith.addi %scan3A_86, %add3A_134 : i32
      %lt3A_136 = arith.constant 20 : i32
      %lt3A_137 = arith.cmpi slt, %add3A_135, %lt3A_136 : i32
      %convert_element_type3A_138 = arith.extui %lt3A_137 : i1 to i32
      %cond3A_139 = arith.constant 0 : i32
      %cond3A_140 = arith.cmpi ne, %convert_element_type3A_138, %cond3A_139 : i32
      scf.if %cond3A_140 {
        %add3A_151 = arith.constant 6 : i32
        %add3A_152 = arith.addi %mul3A_88, %add3A_151 : i32
        %dma_start3A_153 = arith.constant 0 : i32
        %dma_start3A_154 = tpu.memref_slice %arg7[%add3A_152, %dma_start3A_153] : memref<80x128xi32, #tpu.memory_space<vmem>> -> memref<1x128xi32, #tpu.memory_space<vmem>>
        %dma_start3A_155 = tpu.memref_squeeze %dma_start3A_154 : memref<1x128xi32, #tpu.memory_space<vmem>> -> memref<128xi32, #tpu.memory_space<vmem>>
        %dma_start3A_156 = arith.constant 0 : i32
        %dma_start3A_157 = arith.constant 0 : i32
        %dma_start3A_158 = tpu.memref_slice %arg14[%dma_start3A_156, %dma_start3A_157] : memref<10240x32xf32, #tpu.memory_space<vmem_shared>> -> memref<10240x32xf32, #tpu.memory_space<vmem_shared>>
        tpu.enqueue_indirect_dma source(%dma_start3A_158 : memref<10240x32xf32, #tpu.memory_space<vmem_shared>>) target(%arg11 : memref<128x32xf32, #tpu.memory_space<vmem>>) offsets(%dma_start3A_155 : memref<128xi32, #tpu.memory_space<vmem>>) semaphore(%arg17 : memref<!tpu.dma_semaphore, #tpu.memory_space<semaphore_mem>>)
      } else {
      }
      %add3A_141 = arith.constant 3 : i32
      %add3A_142 = arith.addi %mul3A_88, %add3A_141 : i32
      %dma_wait3A_143 = arith.constant 0 : i32
      %dma_wait3A_144 = tpu.memref_slice %arg7[%add3A_142, %dma_wait3A_143] : memref<80x128xi32, #tpu.memory_space<vmem>> -> memref<1x128xi32, #tpu.memory_space<vmem>>
      %dma_wait3A_145 = tpu.memref_squeeze %dma_wait3A_144 : memref<1x128xi32, #tpu.memory_space<vmem>> -> memref<128xi32, #tpu.memory_space<vmem>>
      %dma_wait3A_146 = arith.constant 0 : i32
      %dma_wait3A_147 = arith.constant 0 : i32
      %dma_wait3A_148 = tpu.memref_slice %arg14[%dma_wait3A_146, %dma_wait3A_147] : memref<10240x32xf32, #tpu.memory_space<vmem_shared>> -> memref<10240x32xf32, #tpu.memory_space<vmem_shared>>
      tpu.wait_indirect_dma semaphore(%arg18 : memref<!tpu.dma_semaphore, #tpu.memory_space<semaphore_mem>>) src(%dma_wait3A_148 : memref<10240x32xf32, #tpu.memory_space<vmem_shared>>) dst(%arg12 : memref<128x32xf32, #tpu.memory_space<vmem>>)
      %add3A_149 = arith.constant 3 : i32
      %add3A_150 = arith.addi %mul3A_88, %add3A_149 : i32
      "tpu.region"() ({
        %run_scoped3A = tpu.sem_alloc : memref<!tpu.dma_semaphore, #tpu.memory_space<semaphore_mem>>
        %dma_start3A_151 = arith.constant 0 : i32
        %dma_start3A_152 = tpu.memref_slice %arg8[%add3A_150, %dma_start3A_151] : memref<80x128xi32, #tpu.memory_space<vmem>> -> memref<1x128xi32, #tpu.memory_space<vmem>>
        %dma_start3A_153 = tpu.memref_squeeze %dma_start3A_152 : memref<1x128xi32, #tpu.memory_space<vmem>> -> memref<128xi32, #tpu.memory_space<vmem>>
        %dma_start3A_154 = arith.constant 0 : i32
        %dma_start3A_155 = arith.constant 0 : i32
        %dma_start3A_156 = tpu.memref_slice %arg13[%dma_start3A_154, %dma_start3A_155] : memref<10240x32xf32, #tpu.memory_space<vmem_shared>> -> memref<10240x32xf32, #tpu.memory_space<vmem_shared>>
        tpu.enqueue_indirect_dma source(%arg12 : memref<128x32xf32, #tpu.memory_space<vmem>>) target(%dma_start3A_156 : memref<10240x32xf32, #tpu.memory_space<vmem_shared>>) offsets(%dma_start3A_153 : memref<128xi32, #tpu.memory_space<vmem>>) semaphore(%run_scoped3A : memref<!tpu.dma_semaphore, #tpu.memory_space<semaphore_mem>>) {add = true}
        %dma_wait3A_157 = arith.constant 0 : i32
        %dma_wait3A_158 = tpu.memref_slice %arg8[%add3A_150, %dma_wait3A_157] : memref<80x128xi32, #tpu.memory_space<vmem>> -> memref<1x128xi32, #tpu.memory_space<vmem>>
        %dma_wait3A_159 = tpu.memref_squeeze %dma_wait3A_158 : memref<1x128xi32, #tpu.memory_space<vmem>> -> memref<128xi32, #tpu.memory_space<vmem>>
        %dma_wait3A_160 = arith.constant 0 : i32
        %dma_wait3A_161 = arith.constant 0 : i32
        %dma_wait3A_162 = tpu.memref_slice %arg13[%dma_wait3A_160, %dma_wait3A_161] : memref<10240x32xf32, #tpu.memory_space<vmem_shared>> -> memref<10240x32xf32, #tpu.memory_space<vmem_shared>>
        tpu.wait_indirect_dma semaphore(%run_scoped3A : memref<!tpu.dma_semaphore, #tpu.memory_space<semaphore_mem>>) src(%arg12 : memref<128x32xf32, #tpu.memory_space<vmem>>) dst(%dma_wait3A_162 : memref<10240x32xf32, #tpu.memory_space<vmem_shared>>)
        tpu.yield
      }) : () -> ()
    }
    %scan3A_80 = arith.constant 20 : i32
    %barrier3A_81 = arith.constant 0 : index
    tpu.barrier barrier_id(%barrier3A_81)
    %mul3A_82 = arith.constant 640 : i32
    %mul3A_83 = arith.muli %arg1, %mul3A_82 : i32
    %mul3A_84 = arith.constant 640 : i32
    %mul3A_85 = arith.muli %arg1, %mul3A_84 : i32
    "tpu.region"() ({
      %run_scoped3A = tpu.sem_alloc : memref<!tpu.dma_semaphore, #tpu.memory_space<semaphore_mem>>
      %dma_start3A_86 = arith.constant 0 : i32
      %dma_start3A_87 = tpu.memref_slice %arg6[%arg0, %mul3A_85, %dma_start3A_86] : memref<2x10240x32xf32, #tpu.memory_space<hbm>> -> memref<1x640x32xf32, #tpu.memory_space<hbm>>
      %dma_start3A_88 = tpu.memref_squeeze %dma_start3A_87 : memref<1x640x32xf32, #tpu.memory_space<hbm>> -> memref<640x32xf32, #tpu.memory_space<hbm>>
      %dma_start3A_89 = arith.constant 0 : i32
      %dma_start3A_90 = tpu.memref_slice %arg13[%mul3A_83, %dma_start3A_89] : memref<10240x32xf32, #tpu.memory_space<vmem_shared>> -> memref<640x32xf32, #tpu.memory_space<vmem_shared>>
      tpu.enqueue_dma source(%dma_start3A_90 : memref<640x32xf32, #tpu.memory_space<vmem_shared>>) target(%dma_start3A_88 : memref<640x32xf32, #tpu.memory_space<hbm>>) target_semaphore(%run_scoped3A : memref<!tpu.dma_semaphore, #tpu.memory_space<semaphore_mem>>)
      %dma_wait3A_91 = arith.constant 0 : i32
      %dma_wait3A_92 = tpu.memref_slice %arg6[%arg0, %mul3A_85, %dma_wait3A_91] : memref<2x10240x32xf32, #tpu.memory_space<hbm>> -> memref<1x640x32xf32, #tpu.memory_space<hbm>>
      %dma_wait3A_93 = tpu.memref_squeeze %dma_wait3A_92 : memref<1x640x32xf32, #tpu.memory_space<hbm>> -> memref<640x32xf32, #tpu.memory_space<hbm>>
      %dma_wait3A_94 = arith.constant 0 : i32
      %dma_wait3A_95 = tpu.memref_slice %arg13[%mul3A_83, %dma_wait3A_94] : memref<10240x32xf32, #tpu.memory_space<vmem_shared>> -> memref<640x32xf32, #tpu.memory_space<vmem_shared>>
      tpu.wait_dma2 semaphore(%run_scoped3A : memref<!tpu.dma_semaphore, #tpu.memory_space<semaphore_mem>>) src(%dma_wait3A_95 : memref<640x32xf32, #tpu.memory_space<vmem_shared>>) dst(%dma_wait3A_93 : memref<640x32xf32, #tpu.memory_space<hbm>>)
      tpu.yield
    }) : () -> ()
    return
  }
}

#map = affine_map<(d0, d1) -> (0, 0)>
#map1 = affine_map<(d0, d1) -> (0, 0, 0)>
module attributes {stable_mosaic.version = 14 : i64} {
  func.func @_prop_body(%arg0: i32, %arg1: i32, %arg2: memref<10240x32xf32, #tpu.memory_space<hbm>>, %arg3: memref<32x80x128xi32, #tpu.memory_space<hbm>>, %arg4: memref<32x80x128xi32, #tpu.memory_space<hbm>>, %arg5: memref<10240x32xf32, #tpu.memory_space<hbm>>, %arg6: memref<2x10240x32xf32, #tpu.memory_space<hbm>>, %arg7: memref<80x128xi32, #tpu.memory_space<vmem>>, %arg8: memref<80x128xi32, #tpu.memory_space<vmem>>, %arg9: memref<128x32xf32, #tpu.memory_space<vmem>>, %arg10: memref<128x32xf32, #tpu.memory_space<vmem>>, %arg11: memref<128x32xf32, #tpu.memory_space<vmem>>, %arg12: memref<128x32xf32, #tpu.memory_space<vmem>>, %arg13: memref<10240x32xf32, #tpu.memory_space<vmem_shared>>, %arg14: memref<10240x32xf32, #tpu.memory_space<vmem_shared>>, %arg15: memref<!tpu.dma_semaphore, #tpu.memory_space<semaphore_mem>>, %arg16: memref<!tpu.dma_semaphore, #tpu.memory_space<semaphore_mem>>, %arg17: memref<!tpu.dma_semaphore, #tpu.memory_space<semaphore_mem>>, %arg18: memref<!tpu.dma_semaphore, #tpu.memory_space<semaphore_mem>>) attributes {dimension_semantics = [#tpu.dimension_semantics<core_parallel>, #tpu.dimension_semantics<subcore_parallel>], iteration_bounds = array<i64: 2, 16>, scalar_prefetch = 0 : i64, scratch_operands = 12 : i64, tpu.core_type = #tpu.core_type<sc_vector_subcore>, window_params = [{transform_indices = #map}, {transform_indices = #map1}, {transform_indices = #map1}, {transform_indices = #map}, {transform_indices = #map1}]} {
    %mul3A = arith.constant 16 : i32
    %mul3A_0 = arith.muli %arg0, %mul3A : i32
    %add3A = arith.addi %mul3A_0, %arg1 : i32
    %dma_start3A = arith.constant 0 : i32
    %dma_start3A_1 = arith.constant 0 : i32
    %dma_start3A_2 = tpu.memref_slice %arg3[%add3A, %dma_start3A, %dma_start3A_1] : memref<32x80x128xi32, #tpu.memory_space<hbm>> -> memref<1x80x128xi32, #tpu.memory_space<hbm>>
    %dma_start3A_3 = tpu.memref_squeeze %dma_start3A_2 : memref<1x80x128xi32, #tpu.memory_space<hbm>> -> memref<80x128xi32, #tpu.memory_space<hbm>>
    %dma_start3A_4 = arith.constant 0 : i32
    %dma_start3A_5 = arith.constant 0 : i32
    %dma_start3A_6 = tpu.memref_slice %arg3[%add3A, %dma_start3A_4, %dma_start3A_5] : memref<32x80x128xi32, #tpu.memory_space<hbm>> -> memref<1x80x128xi32, #tpu.memory_space<hbm>>
    %dma_start3A_7 = tpu.memref_squeeze %dma_start3A_6 : memref<1x80x128xi32, #tpu.memory_space<hbm>> -> memref<80x128xi32, #tpu.memory_space<hbm>>
    tpu.enqueue_dma source(%dma_start3A_7 : memref<80x128xi32, #tpu.memory_space<hbm>>) target(%arg7 : memref<80x128xi32, #tpu.memory_space<vmem>>) target_semaphore(%arg15 : memref<!tpu.dma_semaphore, #tpu.memory_space<semaphore_mem>>)
    %dma_start3A_8 = arith.constant 0 : i32
    %dma_start3A_9 = arith.constant 0 : i32
    %dma_start3A_10 = tpu.memref_slice %arg4[%add3A, %dma_start3A_8, %dma_start3A_9] : memref<32x80x128xi32, #tpu.memory_space<hbm>> -> memref<1x80x128xi32, #tpu.memory_space<hbm>>
    %dma_start3A_11 = tpu.memref_squeeze %dma_start3A_10 : memref<1x80x128xi32, #tpu.memory_space<hbm>> -> memref<80x128xi32, #tpu.memory_space<hbm>>
    %dma_start3A_12 = arith.constant 0 : i32
    %dma_start3A_13 = arith.constant 0 : i32
    %dma_start3A_14 = tpu.memref_slice %arg4[%add3A, %dma_start3A_12, %dma_start3A_13] : memref<32x80x128xi32, #tpu.memory_space<hbm>> -> memref<1x80x128xi32, #tpu.memory_space<hbm>>
    %dma_start3A_15 = tpu.memref_squeeze %dma_start3A_14 : memref<1x80x128xi32, #tpu.memory_space<hbm>> -> memref<80x128xi32, #tpu.memory_space<hbm>>
    tpu.enqueue_dma source(%dma_start3A_15 : memref<80x128xi32, #tpu.memory_space<hbm>>) target(%arg8 : memref<80x128xi32, #tpu.memory_space<vmem>>) target_semaphore(%arg16 : memref<!tpu.dma_semaphore, #tpu.memory_space<semaphore_mem>>)
    %mul3A_16 = arith.constant 640 : i32
    %mul3A_17 = arith.muli %arg1, %mul3A_16 : i32
    %mul3A_18 = arith.constant 640 : i32
    %mul3A_19 = arith.muli %arg1, %mul3A_18 : i32
    %dma_start3A_20 = arith.constant 0 : i32
    %dma_start3A_21 = tpu.memref_slice %arg13[%mul3A_19, %dma_start3A_20] : memref<10240x32xf32, #tpu.memory_space<vmem_shared>> -> memref<640x32xf32, #tpu.memory_space<vmem_shared>>
    %dma_start3A_22 = arith.constant 0 : i32
    %dma_start3A_23 = tpu.memref_slice %arg5[%mul3A_17, %dma_start3A_22] : memref<10240x32xf32, #tpu.memory_space<hbm>> -> memref<640x32xf32, #tpu.memory_space<hbm>>
    tpu.enqueue_dma source(%dma_start3A_23 : memref<640x32xf32, #tpu.memory_space<hbm>>) target(%dma_start3A_21 : memref<640x32xf32, #tpu.memory_space<vmem_shared>>) target_semaphore(%arg17 : memref<!tpu.dma_semaphore, #tpu.memory_space<semaphore_mem>>)
    %mul3A_24 = arith.constant 640 : i32
    %mul3A_25 = arith.muli %arg1, %mul3A_24 : i32
    %mul3A_26 = arith.constant 640 : i32
    %mul3A_27 = arith.muli %arg1, %mul3A_26 : i32
    %dma_start3A_28 = arith.constant 0 : i32
    %dma_start3A_29 = tpu.memref_slice %arg14[%mul3A_27, %dma_start3A_28] : memref<10240x32xf32, #tpu.memory_space<vmem_shared>> -> memref<640x32xf32, #tpu.memory_space<vmem_shared>>
    %dma_start3A_30 = arith.constant 0 : i32
    %dma_start3A_31 = tpu.memref_slice %arg2[%mul3A_25, %dma_start3A_30] : memref<10240x32xf32, #tpu.memory_space<hbm>> -> memref<640x32xf32, #tpu.memory_space<hbm>>
    tpu.enqueue_dma source(%dma_start3A_31 : memref<640x32xf32, #tpu.memory_space<hbm>>) target(%dma_start3A_29 : memref<640x32xf32, #tpu.memory_space<vmem_shared>>) target_semaphore(%arg18 : memref<!tpu.dma_semaphore, #tpu.memory_space<semaphore_mem>>)
    %dma_wait3A = arith.constant 0 : i32
    %dma_wait3A_32 = arith.constant 0 : i32
    %dma_wait3A_33 = tpu.memref_slice %arg3[%add3A, %dma_wait3A, %dma_wait3A_32] : memref<32x80x128xi32, #tpu.memory_space<hbm>> -> memref<1x80x128xi32, #tpu.memory_space<hbm>>
    %dma_wait3A_34 = tpu.memref_squeeze %dma_wait3A_33 : memref<1x80x128xi32, #tpu.memory_space<hbm>> -> memref<80x128xi32, #tpu.memory_space<hbm>>
    %dma_wait3A_35 = arith.constant 0 : i32
    %dma_wait3A_36 = arith.constant 0 : i32
    %dma_wait3A_37 = tpu.memref_slice %arg3[%add3A, %dma_wait3A_35, %dma_wait3A_36] : memref<32x80x128xi32, #tpu.memory_space<hbm>> -> memref<1x80x128xi32, #tpu.memory_space<hbm>>
    %dma_wait3A_38 = tpu.memref_squeeze %dma_wait3A_37 : memref<1x80x128xi32, #tpu.memory_space<hbm>> -> memref<80x128xi32, #tpu.memory_space<hbm>>
    tpu.wait_dma2 semaphore(%arg15 : memref<!tpu.dma_semaphore, #tpu.memory_space<semaphore_mem>>) src(%dma_wait3A_38 : memref<80x128xi32, #tpu.memory_space<hbm>>) dst(%arg7 : memref<80x128xi32, #tpu.memory_space<vmem>>)
    %dma_wait3A_39 = arith.constant 0 : i32
    %dma_wait3A_40 = arith.constant 0 : i32
    %dma_wait3A_41 = tpu.memref_slice %arg4[%add3A, %dma_wait3A_39, %dma_wait3A_40] : memref<32x80x128xi32, #tpu.memory_space<hbm>> -> memref<1x80x128xi32, #tpu.memory_space<hbm>>
    %dma_wait3A_42 = tpu.memref_squeeze %dma_wait3A_41 : memref<1x80x128xi32, #tpu.memory_space<hbm>> -> memref<80x128xi32, #tpu.memory_space<hbm>>
    %dma_wait3A_43 = arith.constant 0 : i32
    %dma_wait3A_44 = arith.constant 0 : i32
    %dma_wait3A_45 = tpu.memref_slice %arg4[%add3A, %dma_wait3A_43, %dma_wait3A_44] : memref<32x80x128xi32, #tpu.memory_space<hbm>> -> memref<1x80x128xi32, #tpu.memory_space<hbm>>
    %dma_wait3A_46 = tpu.memref_squeeze %dma_wait3A_45 : memref<1x80x128xi32, #tpu.memory_space<hbm>> -> memref<80x128xi32, #tpu.memory_space<hbm>>
    tpu.wait_dma2 semaphore(%arg16 : memref<!tpu.dma_semaphore, #tpu.memory_space<semaphore_mem>>) src(%dma_wait3A_46 : memref<80x128xi32, #tpu.memory_space<hbm>>) dst(%arg8 : memref<80x128xi32, #tpu.memory_space<vmem>>)
    %dma_wait3A_47 = arith.constant 0 : i32
    %dma_wait3A_48 = tpu.memref_slice %arg13[%mul3A_19, %dma_wait3A_47] : memref<10240x32xf32, #tpu.memory_space<vmem_shared>> -> memref<640x32xf32, #tpu.memory_space<vmem_shared>>
    %dma_wait3A_49 = arith.constant 0 : i32
    %dma_wait3A_50 = tpu.memref_slice %arg5[%mul3A_17, %dma_wait3A_49] : memref<10240x32xf32, #tpu.memory_space<hbm>> -> memref<640x32xf32, #tpu.memory_space<hbm>>
    tpu.wait_dma2 semaphore(%arg17 : memref<!tpu.dma_semaphore, #tpu.memory_space<semaphore_mem>>) src(%dma_wait3A_50 : memref<640x32xf32, #tpu.memory_space<hbm>>) dst(%dma_wait3A_48 : memref<640x32xf32, #tpu.memory_space<vmem_shared>>)
    %dma_wait3A_51 = arith.constant 0 : i32
    %dma_wait3A_52 = tpu.memref_slice %arg14[%mul3A_27, %dma_wait3A_51] : memref<10240x32xf32, #tpu.memory_space<vmem_shared>> -> memref<640x32xf32, #tpu.memory_space<vmem_shared>>
    %dma_wait3A_53 = arith.constant 0 : i32
    %dma_wait3A_54 = tpu.memref_slice %arg2[%mul3A_25, %dma_wait3A_53] : memref<10240x32xf32, #tpu.memory_space<hbm>> -> memref<640x32xf32, #tpu.memory_space<hbm>>
    tpu.wait_dma2 semaphore(%arg18 : memref<!tpu.dma_semaphore, #tpu.memory_space<semaphore_mem>>) src(%dma_wait3A_54 : memref<640x32xf32, #tpu.memory_space<hbm>>) dst(%dma_wait3A_52 : memref<640x32xf32, #tpu.memory_space<vmem_shared>>)
    %barrier3A = arith.constant 0 : index
    tpu.barrier barrier_id(%barrier3A)
    %dma_start3A_55 = arith.constant 0 : i32
    %dma_start3A_56 = arith.constant 0 : i32
    %dma_start3A_57 = tpu.memref_slice %arg7[%dma_start3A_55, %dma_start3A_56] : memref<80x128xi32, #tpu.memory_space<vmem>> -> memref<1x128xi32, #tpu.memory_space<vmem>>
    %dma_start3A_58 = tpu.memref_squeeze %dma_start3A_57 : memref<1x128xi32, #tpu.memory_space<vmem>> -> memref<128xi32, #tpu.memory_space<vmem>>
    %dma_start3A_59 = arith.constant 0 : i32
    %dma_start3A_60 = arith.constant 0 : i32
    %dma_start3A_61 = tpu.memref_slice %arg14[%dma_start3A_59, %dma_start3A_60] : memref<10240x32xf32, #tpu.memory_space<vmem_shared>> -> memref<10240x32xf32, #tpu.memory_space<vmem_shared>>
    tpu.enqueue_indirect_dma source(%dma_start3A_61 : memref<10240x32xf32, #tpu.memory_space<vmem_shared>>) target(%arg9 : memref<128x32xf32, #tpu.memory_space<vmem>>) offsets(%dma_start3A_58 : memref<128xi32, #tpu.memory_space<vmem>>) semaphore(%arg15 : memref<!tpu.dma_semaphore, #tpu.memory_space<semaphore_mem>>)
    %dma_start3A_62 = arith.constant 1 : i32
    %dma_start3A_63 = arith.constant 0 : i32
    %dma_start3A_64 = tpu.memref_slice %arg7[%dma_start3A_62, %dma_start3A_63] : memref<80x128xi32, #tpu.memory_space<vmem>> -> memref<1x128xi32, #tpu.memory_space<vmem>>
    %dma_start3A_65 = tpu.memref_squeeze %dma_start3A_64 : memref<1x128xi32, #tpu.memory_space<vmem>> -> memref<128xi32, #tpu.memory_space<vmem>>
    %dma_start3A_66 = arith.constant 0 : i32
    %dma_start3A_67 = arith.constant 0 : i32
    %dma_start3A_68 = tpu.memref_slice %arg14[%dma_start3A_66, %dma_start3A_67] : memref<10240x32xf32, #tpu.memory_space<vmem_shared>> -> memref<10240x32xf32, #tpu.memory_space<vmem_shared>>
    tpu.enqueue_indirect_dma source(%dma_start3A_68 : memref<10240x32xf32, #tpu.memory_space<vmem_shared>>) target(%arg10 : memref<128x32xf32, #tpu.memory_space<vmem>>) offsets(%dma_start3A_65 : memref<128xi32, #tpu.memory_space<vmem>>) semaphore(%arg16 : memref<!tpu.dma_semaphore, #tpu.memory_space<semaphore_mem>>)
    %dma_start3A_69 = arith.constant 2 : i32
    %dma_start3A_70 = arith.constant 0 : i32
    %dma_start3A_71 = tpu.memref_slice %arg7[%dma_start3A_69, %dma_start3A_70] : memref<80x128xi32, #tpu.memory_space<vmem>> -> memref<1x128xi32, #tpu.memory_space<vmem>>
    %dma_start3A_72 = tpu.memref_squeeze %dma_start3A_71 : memref<1x128xi32, #tpu.memory_space<vmem>> -> memref<128xi32, #tpu.memory_space<vmem>>
    %dma_start3A_73 = arith.constant 0 : i32
    %dma_start3A_74 = arith.constant 0 : i32
    %dma_start3A_75 = tpu.memref_slice %arg14[%dma_start3A_73, %dma_start3A_74] : memref<10240x32xf32, #tpu.memory_space<vmem_shared>> -> memref<10240x32xf32, #tpu.memory_space<vmem_shared>>
    tpu.enqueue_indirect_dma source(%dma_start3A_75 : memref<10240x32xf32, #tpu.memory_space<vmem_shared>>) target(%arg11 : memref<128x32xf32, #tpu.memory_space<vmem>>) offsets(%dma_start3A_72 : memref<128xi32, #tpu.memory_space<vmem>>) semaphore(%arg17 : memref<!tpu.dma_semaphore, #tpu.memory_space<semaphore_mem>>)
    %scan3A = arith.constant 0 : i32
    %scan3A_76 = arith.constant 0 : i32
    %scan3A_77 = arith.constant 20 : i32
    %scan3A_78 = arith.addi %scan3A_76, %scan3A_77 : i32
    %scan3A_79 = arith.constant 1 : i32
    scf.for %scan3A_86 = %scan3A_76 to %scan3A_78 step %scan3A_79  : i32 {
      %mul3A_87 = arith.constant 4 : i32
      %mul3A_88 = arith.muli %scan3A_86, %mul3A_87 : i32
      %add3A_89 = arith.constant 3 : i32
      %add3A_90 = arith.addi %mul3A_88, %add3A_89 : i32
      %dma_start3A_91 = arith.constant 0 : i32
      %dma_start3A_92 = tpu.memref_slice %arg7[%add3A_90, %dma_start3A_91] : memref<80x128xi32, #tpu.memory_space<vmem>> -> memref<1x128xi32, #tpu.memory_space<vmem>>
      %dma_start3A_93 = tpu.memref_squeeze %dma_start3A_92 : memref<1x128xi32, #tpu.memory_space<vmem>> -> memref<128xi32, #tpu.memory_space<vmem>>
      %dma_start3A_94 = arith.constant 0 : i32
      %dma_start3A_95 = arith.constant 0 : i32
      %dma_start3A_96 = tpu.memref_slice %arg14[%dma_start3A_94, %dma_start3A_95] : memref<10240x32xf32, #tpu.memory_space<vmem_shared>> -> memref<10240x32xf32, #tpu.memory_space<vmem_shared>>
      tpu.enqueue_indirect_dma source(%dma_start3A_96 : memref<10240x32xf32, #tpu.memory_space<vmem_shared>>) target(%arg12 : memref<128x32xf32, #tpu.memory_space<vmem>>) offsets(%dma_start3A_93 : memref<128xi32, #tpu.memory_space<vmem>>) semaphore(%arg18 : memref<!tpu.dma_semaphore, #tpu.memory_space<semaphore_mem>>)
      %dma_wait3A_97 = arith.constant 0 : i32
      %dma_wait3A_98 = tpu.memref_slice %arg7[%mul3A_88, %dma_wait3A_97] : memref<80x128xi32, #tpu.memory_space<vmem>> -> memref<1x128xi32, #tpu.memory_space<vmem>>
      %dma_wait3A_99 = tpu.memref_squeeze %dma_wait3A_98 : memref<1x128xi32, #tpu.memory_space<vmem>> -> memref<128xi32, #tpu.memory_space<vmem>>
      %dma_wait3A_100 = arith.constant 0 : i32
      %dma_wait3A_101 = arith.constant 0 : i32
      %dma_wait3A_102 = tpu.memref_slice %arg14[%dma_wait3A_100, %dma_wait3A_101] : memref<10240x32xf32, #tpu.memory_space<vmem_shared>> -> memref<10240x32xf32, #tpu.memory_space<vmem_shared>>
      tpu.wait_indirect_dma semaphore(%arg15 : memref<!tpu.dma_semaphore, #tpu.memory_space<semaphore_mem>>) src(%dma_wait3A_102 : memref<10240x32xf32, #tpu.memory_space<vmem_shared>>) dst(%arg9 : memref<128x32xf32, #tpu.memory_space<vmem>>)
      "tpu.region"() ({
        %run_scoped3A = tpu.sem_alloc : memref<!tpu.dma_semaphore, #tpu.memory_space<semaphore_mem>>
        %dma_start3A_151 = arith.constant 0 : i32
        %dma_start3A_152 = tpu.memref_slice %arg8[%mul3A_88, %dma_start3A_151] : memref<80x128xi32, #tpu.memory_space<vmem>> -> memref<1x128xi32, #tpu.memory_space<vmem>>
        %dma_start3A_153 = tpu.memref_squeeze %dma_start3A_152 : memref<1x128xi32, #tpu.memory_space<vmem>> -> memref<128xi32, #tpu.memory_space<vmem>>
        %dma_start3A_154 = arith.constant 0 : i32
        %dma_start3A_155 = arith.constant 0 : i32
        %dma_start3A_156 = tpu.memref_slice %arg13[%dma_start3A_154, %dma_start3A_155] : memref<10240x32xf32, #tpu.memory_space<vmem_shared>> -> memref<10240x32xf32, #tpu.memory_space<vmem_shared>>
        tpu.enqueue_indirect_dma source(%arg9 : memref<128x32xf32, #tpu.memory_space<vmem>>) target(%dma_start3A_156 : memref<10240x32xf32, #tpu.memory_space<vmem_shared>>) offsets(%dma_start3A_153 : memref<128xi32, #tpu.memory_space<vmem>>) semaphore(%run_scoped3A : memref<!tpu.dma_semaphore, #tpu.memory_space<semaphore_mem>>) {add = true}
        %dma_wait3A_157 = arith.constant 0 : i32
        %dma_wait3A_158 = tpu.memref_slice %arg8[%mul3A_88, %dma_wait3A_157] : memref<80x128xi32, #tpu.memory_space<vmem>> -> memref<1x128xi32, #tpu.memory_space<vmem>>
        %dma_wait3A_159 = tpu.memref_squeeze %dma_wait3A_158 : memref<1x128xi32, #tpu.memory_space<vmem>> -> memref<128xi32, #tpu.memory_space<vmem>>
        %dma_wait3A_160 = arith.constant 0 : i32
        %dma_wait3A_161 = arith.constant 0 : i32
        %dma_wait3A_162 = tpu.memref_slice %arg13[%dma_wait3A_160, %dma_wait3A_161] : memref<10240x32xf32, #tpu.memory_space<vmem_shared>> -> memref<10240x32xf32, #tpu.memory_space<vmem_shared>>
        tpu.wait_indirect_dma semaphore(%run_scoped3A : memref<!tpu.dma_semaphore, #tpu.memory_space<semaphore_mem>>) src(%arg9 : memref<128x32xf32, #tpu.memory_space<vmem>>) dst(%dma_wait3A_162 : memref<10240x32xf32, #tpu.memory_space<vmem_shared>>)
        tpu.yield
      }) : () -> ()
      %add3A_103 = arith.constant 1 : i32
      %add3A_104 = arith.addi %scan3A_86, %add3A_103 : i32
      %lt3A = arith.constant 20 : i32
      %lt3A_105 = arith.cmpi slt, %add3A_104, %lt3A : i32
      %convert_element_type3A = arith.extui %lt3A_105 : i1 to i32
      %cond3A = arith.constant 0 : i32
      %cond3A_106 = arith.cmpi ne, %convert_element_type3A, %cond3A : i32
      scf.if %cond3A_106 {
        %add3A_151 = arith.constant 4 : i32
        %add3A_152 = arith.addi %mul3A_88, %add3A_151 : i32
        %dma_start3A_153 = arith.constant 0 : i32
        %dma_start3A_154 = tpu.memref_slice %arg7[%add3A_152, %dma_start3A_153] : memref<80x128xi32, #tpu.memory_space<vmem>> -> memref<1x128xi32, #tpu.memory_space<vmem>>
        %dma_start3A_155 = tpu.memref_squeeze %dma_start3A_154 : memref<1x128xi32, #tpu.memory_space<vmem>> -> memref<128xi32, #tpu.memory_space<vmem>>
        %dma_start3A_156 = arith.constant 0 : i32
        %dma_start3A_157 = arith.constant 0 : i32
        %dma_start3A_158 = tpu.memref_slice %arg14[%dma_start3A_156, %dma_start3A_157] : memref<10240x32xf32, #tpu.memory_space<vmem_shared>> -> memref<10240x32xf32, #tpu.memory_space<vmem_shared>>
        tpu.enqueue_indirect_dma source(%dma_start3A_158 : memref<10240x32xf32, #tpu.memory_space<vmem_shared>>) target(%arg9 : memref<128x32xf32, #tpu.memory_space<vmem>>) offsets(%dma_start3A_155 : memref<128xi32, #tpu.memory_space<vmem>>) semaphore(%arg15 : memref<!tpu.dma_semaphore, #tpu.memory_space<semaphore_mem>>)
      } else {
      }
      %add3A_107 = arith.constant 1 : i32
      %add3A_108 = arith.addi %mul3A_88, %add3A_107 : i32
      %dma_wait3A_109 = arith.constant 0 : i32
      %dma_wait3A_110 = tpu.memref_slice %arg7[%add3A_108, %dma_wait3A_109] : memref<80x128xi32, #tpu.memory_space<vmem>> -> memref<1x128xi32, #tpu.memory_space<vmem>>
      %dma_wait3A_111 = tpu.memref_squeeze %dma_wait3A_110 : memref<1x128xi32, #tpu.memory_space<vmem>> -> memref<128xi32, #tpu.memory_space<vmem>>
      %dma_wait3A_112 = arith.constant 0 : i32
      %dma_wait3A_113 = arith.constant 0 : i32
      %dma_wait3A_114 = tpu.memref_slice %arg14[%dma_wait3A_112, %dma_wait3A_113] : memref<10240x32xf32, #tpu.memory_space<vmem_shared>> -> memref<10240x32xf32, #tpu.memory_space<vmem_shared>>
      tpu.wait_indirect_dma semaphore(%arg16 : memref<!tpu.dma_semaphore, #tpu.memory_space<semaphore_mem>>) src(%dma_wait3A_114 : memref<10240x32xf32, #tpu.memory_space<vmem_shared>>) dst(%arg10 : memref<128x32xf32, #tpu.memory_space<vmem>>)
      %add3A_115 = arith.constant 1 : i32
      %add3A_116 = arith.addi %mul3A_88, %add3A_115 : i32
      "tpu.region"() ({
        %run_scoped3A = tpu.sem_alloc : memref<!tpu.dma_semaphore, #tpu.memory_space<semaphore_mem>>
        %dma_start3A_151 = arith.constant 0 : i32
        %dma_start3A_152 = tpu.memref_slice %arg8[%add3A_116, %dma_start3A_151] : memref<80x128xi32, #tpu.memory_space<vmem>> -> memref<1x128xi32, #tpu.memory_space<vmem>>
        %dma_start3A_153 = tpu.memref_squeeze %dma_start3A_152 : memref<1x128xi32, #tpu.memory_space<vmem>> -> memref<128xi32, #tpu.memory_space<vmem>>
        %dma_start3A_154 = arith.constant 0 : i32
        %dma_start3A_155 = arith.constant 0 : i32
        %dma_start3A_156 = tpu.memref_slice %arg13[%dma_start3A_154, %dma_start3A_155] : memref<10240x32xf32, #tpu.memory_space<vmem_shared>> -> memref<10240x32xf32, #tpu.memory_space<vmem_shared>>
        tpu.enqueue_indirect_dma source(%arg10 : memref<128x32xf32, #tpu.memory_space<vmem>>) target(%dma_start3A_156 : memref<10240x32xf32, #tpu.memory_space<vmem_shared>>) offsets(%dma_start3A_153 : memref<128xi32, #tpu.memory_space<vmem>>) semaphore(%run_scoped3A : memref<!tpu.dma_semaphore, #tpu.memory_space<semaphore_mem>>) {add = true}
        %dma_wait3A_157 = arith.constant 0 : i32
        %dma_wait3A_158 = tpu.memref_slice %arg8[%add3A_116, %dma_wait3A_157] : memref<80x128xi32, #tpu.memory_space<vmem>> -> memref<1x128xi32, #tpu.memory_space<vmem>>
        %dma_wait3A_159 = tpu.memref_squeeze %dma_wait3A_158 : memref<1x128xi32, #tpu.memory_space<vmem>> -> memref<128xi32, #tpu.memory_space<vmem>>
        %dma_wait3A_160 = arith.constant 0 : i32
        %dma_wait3A_161 = arith.constant 0 : i32
        %dma_wait3A_162 = tpu.memref_slice %arg13[%dma_wait3A_160, %dma_wait3A_161] : memref<10240x32xf32, #tpu.memory_space<vmem_shared>> -> memref<10240x32xf32, #tpu.memory_space<vmem_shared>>
        tpu.wait_indirect_dma semaphore(%run_scoped3A : memref<!tpu.dma_semaphore, #tpu.memory_space<semaphore_mem>>) src(%arg10 : memref<128x32xf32, #tpu.memory_space<vmem>>) dst(%dma_wait3A_162 : memref<10240x32xf32, #tpu.memory_space<vmem_shared>>)
        tpu.yield
      }) : () -> ()
      %add3A_117 = arith.constant 1 : i32
      %add3A_118 = arith.addi %scan3A_86, %add3A_117 : i32
      %lt3A_119 = arith.constant 20 : i32
      %lt3A_120 = arith.cmpi slt, %add3A_118, %lt3A_119 : i32
      %convert_element_type3A_121 = arith.extui %lt3A_120 : i1 to i32
      %cond3A_122 = arith.constant 0 : i32
      %cond3A_123 = arith.cmpi ne, %convert_element_type3A_121, %cond3A_122 : i32
      scf.if %cond3A_123 {
        %add3A_151 = arith.constant 5 : i32
        %add3A_152 = arith.addi %mul3A_88, %add3A_151 : i32
        %dma_start3A_153 = arith.constant 0 : i32
        %dma_start3A_154 = tpu.memref_slice %arg7[%add3A_152, %dma_start3A_153] : memref<80x128xi32, #tpu.memory_space<vmem>> -> memref<1x128xi32, #tpu.memory_space<vmem>>
        %dma_start3A_155 = tpu.memref_squeeze %dma_start3A_154 : memref<1x128xi32, #tpu.memory_space<vmem>> -> memref<128xi32, #tpu.memory_space<vmem>>
        %dma_start3A_156 = arith.constant 0 : i32
        %dma_start3A_157 = arith.constant 0 : i32
        %dma_start3A_158 = tpu.memref_slice %arg14[%dma_start3A_156, %dma_start3A_157] : memref<10240x32xf32, #tpu.memory_space<vmem_shared>> -> memref<10240x32xf32, #tpu.memory_space<vmem_shared>>
        tpu.enqueue_indirect_dma source(%dma_start3A_158 : memref<10240x32xf32, #tpu.memory_space<vmem_shared>>) target(%arg10 : memref<128x32xf32, #tpu.memory_space<vmem>>) offsets(%dma_start3A_155 : memref<128xi32, #tpu.memory_space<vmem>>) semaphore(%arg16 : memref<!tpu.dma_semaphore, #tpu.memory_space<semaphore_mem>>)
      } else {
      }
      %add3A_124 = arith.constant 2 : i32
      %add3A_125 = arith.addi %mul3A_88, %add3A_124 : i32
      %dma_wait3A_126 = arith.constant 0 : i32
      %dma_wait3A_127 = tpu.memref_slice %arg7[%add3A_125, %dma_wait3A_126] : memref<80x128xi32, #tpu.memory_space<vmem>> -> memref<1x128xi32, #tpu.memory_space<vmem>>
      %dma_wait3A_128 = tpu.memref_squeeze %dma_wait3A_127 : memref<1x128xi32, #tpu.memory_space<vmem>> -> memref<128xi32, #tpu.memory_space<vmem>>
      %dma_wait3A_129 = arith.constant 0 : i32
      %dma_wait3A_130 = arith.constant 0 : i32
      %dma_wait3A_131 = tpu.memref_slice %arg14[%dma_wait3A_129, %dma_wait3A_130] : memref<10240x32xf32, #tpu.memory_space<vmem_shared>> -> memref<10240x32xf32, #tpu.memory_space<vmem_shared>>
      tpu.wait_indirect_dma semaphore(%arg17 : memref<!tpu.dma_semaphore, #tpu.memory_space<semaphore_mem>>) src(%dma_wait3A_131 : memref<10240x32xf32, #tpu.memory_space<vmem_shared>>) dst(%arg11 : memref<128x32xf32, #tpu.memory_space<vmem>>)
      %add3A_132 = arith.constant 2 : i32
      %add3A_133 = arith.addi %mul3A_88, %add3A_132 : i32
      "tpu.region"() ({
        %run_scoped3A = tpu.sem_alloc : memref<!tpu.dma_semaphore, #tpu.memory_space<semaphore_mem>>
        %dma_start3A_151 = arith.constant 0 : i32
        %dma_start3A_152 = tpu.memref_slice %arg8[%add3A_133, %dma_start3A_151] : memref<80x128xi32, #tpu.memory_space<vmem>> -> memref<1x128xi32, #tpu.memory_space<vmem>>
        %dma_start3A_153 = tpu.memref_squeeze %dma_start3A_152 : memref<1x128xi32, #tpu.memory_space<vmem>> -> memref<128xi32, #tpu.memory_space<vmem>>
        %dma_start3A_154 = arith.constant 0 : i32
        %dma_start3A_155 = arith.constant 0 : i32
        %dma_start3A_156 = tpu.memref_slice %arg13[%dma_start3A_154, %dma_start3A_155] : memref<10240x32xf32, #tpu.memory_space<vmem_shared>> -> memref<10240x32xf32, #tpu.memory_space<vmem_shared>>
        tpu.enqueue_indirect_dma source(%arg11 : memref<128x32xf32, #tpu.memory_space<vmem>>) target(%dma_start3A_156 : memref<10240x32xf32, #tpu.memory_space<vmem_shared>>) offsets(%dma_start3A_153 : memref<128xi32, #tpu.memory_space<vmem>>) semaphore(%run_scoped3A : memref<!tpu.dma_semaphore, #tpu.memory_space<semaphore_mem>>) {add = true}
        %dma_wait3A_157 = arith.constant 0 : i32
        %dma_wait3A_158 = tpu.memref_slice %arg8[%add3A_133, %dma_wait3A_157] : memref<80x128xi32, #tpu.memory_space<vmem>> -> memref<1x128xi32, #tpu.memory_space<vmem>>
        %dma_wait3A_159 = tpu.memref_squeeze %dma_wait3A_158 : memref<1x128xi32, #tpu.memory_space<vmem>> -> memref<128xi32, #tpu.memory_space<vmem>>
        %dma_wait3A_160 = arith.constant 0 : i32
        %dma_wait3A_161 = arith.constant 0 : i32
        %dma_wait3A_162 = tpu.memref_slice %arg13[%dma_wait3A_160, %dma_wait3A_161] : memref<10240x32xf32, #tpu.memory_space<vmem_shared>> -> memref<10240x32xf32, #tpu.memory_space<vmem_shared>>
        tpu.wait_indirect_dma semaphore(%run_scoped3A : memref<!tpu.dma_semaphore, #tpu.memory_space<semaphore_mem>>) src(%arg11 : memref<128x32xf32, #tpu.memory_space<vmem>>) dst(%dma_wait3A_162 : memref<10240x32xf32, #tpu.memory_space<vmem_shared>>)
        tpu.yield
      }) : () -> ()
      %add3A_134 = arith.constant 1 : i32
      %add3A_135 = arith.addi %scan3A_86, %add3A_134 : i32
      %lt3A_136 = arith.constant 20 : i32
      %lt3A_137 = arith.cmpi slt, %add3A_135, %lt3A_136 : i32
      %convert_element_type3A_138 = arith.extui %lt3A_137 : i1 to i32
      %cond3A_139 = arith.constant 0 : i32
      %cond3A_140 = arith.cmpi ne, %convert_element_type3A_138, %cond3A_139 : i32
      scf.if %cond3A_140 {
        %add3A_151 = arith.constant 6 : i32
        %add3A_152 = arith.addi %mul3A_88, %add3A_151 : i32
        %dma_start3A_153 = arith.constant 0 : i32
        %dma_start3A_154 = tpu.memref_slice %arg7[%add3A_152, %dma_start3A_153] : memref<80x128xi32, #tpu.memory_space<vmem>> -> memref<1x128xi32, #tpu.memory_space<vmem>>
        %dma_start3A_155 = tpu.memref_squeeze %dma_start3A_154 : memref<1x128xi32, #tpu.memory_space<vmem>> -> memref<128xi32, #tpu.memory_space<vmem>>
        %dma_start3A_156 = arith.constant 0 : i32
        %dma_start3A_157 = arith.constant 0 : i32
        %dma_start3A_158 = tpu.memref_slice %arg14[%dma_start3A_156, %dma_start3A_157] : memref<10240x32xf32, #tpu.memory_space<vmem_shared>> -> memref<10240x32xf32, #tpu.memory_space<vmem_shared>>
        tpu.enqueue_indirect_dma source(%dma_start3A_158 : memref<10240x32xf32, #tpu.memory_space<vmem_shared>>) target(%arg11 : memref<128x32xf32, #tpu.memory_space<vmem>>) offsets(%dma_start3A_155 : memref<128xi32, #tpu.memory_space<vmem>>) semaphore(%arg17 : memref<!tpu.dma_semaphore, #tpu.memory_space<semaphore_mem>>)
      } else {
      }
      %add3A_141 = arith.constant 3 : i32
      %add3A_142 = arith.addi %mul3A_88, %add3A_141 : i32
      %dma_wait3A_143 = arith.constant 0 : i32
      %dma_wait3A_144 = tpu.memref_slice %arg7[%add3A_142, %dma_wait3A_143] : memref<80x128xi32, #tpu.memory_space<vmem>> -> memref<1x128xi32, #tpu.memory_space<vmem>>
      %dma_wait3A_145 = tpu.memref_squeeze %dma_wait3A_144 : memref<1x128xi32, #tpu.memory_space<vmem>> -> memref<128xi32, #tpu.memory_space<vmem>>
      %dma_wait3A_146 = arith.constant 0 : i32
      %dma_wait3A_147 = arith.constant 0 : i32
      %dma_wait3A_148 = tpu.memref_slice %arg14[%dma_wait3A_146, %dma_wait3A_147] : memref<10240x32xf32, #tpu.memory_space<vmem_shared>> -> memref<10240x32xf32, #tpu.memory_space<vmem_shared>>
      tpu.wait_indirect_dma semaphore(%arg18 : memref<!tpu.dma_semaphore, #tpu.memory_space<semaphore_mem>>) src(%dma_wait3A_148 : memref<10240x32xf32, #tpu.memory_space<vmem_shared>>) dst(%arg12 : memref<128x32xf32, #tpu.memory_space<vmem>>)
      %add3A_149 = arith.constant 3 : i32
      %add3A_150 = arith.addi %mul3A_88, %add3A_149 : i32
      "tpu.region"() ({
        %run_scoped3A = tpu.sem_alloc : memref<!tpu.dma_semaphore, #tpu.memory_space<semaphore_mem>>
        %dma_start3A_151 = arith.constant 0 : i32
        %dma_start3A_152 = tpu.memref_slice %arg8[%add3A_150, %dma_start3A_151] : memref<80x128xi32, #tpu.memory_space<vmem>> -> memref<1x128xi32, #tpu.memory_space<vmem>>
        %dma_start3A_153 = tpu.memref_squeeze %dma_start3A_152 : memref<1x128xi32, #tpu.memory_space<vmem>> -> memref<128xi32, #tpu.memory_space<vmem>>
        %dma_start3A_154 = arith.constant 0 : i32
        %dma_start3A_155 = arith.constant 0 : i32
        %dma_start3A_156 = tpu.memref_slice %arg13[%dma_start3A_154, %dma_start3A_155] : memref<10240x32xf32, #tpu.memory_space<vmem_shared>> -> memref<10240x32xf32, #tpu.memory_space<vmem_shared>>
        tpu.enqueue_indirect_dma source(%arg12 : memref<128x32xf32, #tpu.memory_space<vmem>>) target(%dma_start3A_156 : memref<10240x32xf32, #tpu.memory_space<vmem_shared>>) offsets(%dma_start3A_153 : memref<128xi32, #tpu.memory_space<vmem>>) semaphore(%run_scoped3A : memref<!tpu.dma_semaphore, #tpu.memory_space<semaphore_mem>>) {add = true}
        %dma_wait3A_157 = arith.constant 0 : i32
        %dma_wait3A_158 = tpu.memref_slice %arg8[%add3A_150, %dma_wait3A_157] : memref<80x128xi32, #tpu.memory_space<vmem>> -> memref<1x128xi32, #tpu.memory_space<vmem>>
        %dma_wait3A_159 = tpu.memref_squeeze %dma_wait3A_158 : memref<1x128xi32, #tpu.memory_space<vmem>> -> memref<128xi32, #tpu.memory_space<vmem>>
        %dma_wait3A_160 = arith.constant 0 : i32
        %dma_wait3A_161 = arith.constant 0 : i32
        %dma_wait3A_162 = tpu.memref_slice %arg13[%dma_wait3A_160, %dma_wait3A_161] : memref<10240x32xf32, #tpu.memory_space<vmem_shared>> -> memref<10240x32xf32, #tpu.memory_space<vmem_shared>>
        tpu.wait_indirect_dma semaphore(%run_scoped3A : memref<!tpu.dma_semaphore, #tpu.memory_space<semaphore_mem>>) src(%arg12 : memref<128x32xf32, #tpu.memory_space<vmem>>) dst(%dma_wait3A_162 : memref<10240x32xf32, #tpu.memory_space<vmem_shared>>)
        tpu.yield
      }) : () -> ()
    }
    %scan3A_80 = arith.constant 20 : i32
    %barrier3A_81 = arith.constant 0 : index
    tpu.barrier barrier_id(%barrier3A_81)
    %mul3A_82 = arith.constant 640 : i32
    %mul3A_83 = arith.muli %arg1, %mul3A_82 : i32
    %mul3A_84 = arith.constant 640 : i32
    %mul3A_85 = arith.muli %arg1, %mul3A_84 : i32
    "tpu.region"() ({
      %run_scoped3A = tpu.sem_alloc : memref<!tpu.dma_semaphore, #tpu.memory_space<semaphore_mem>>
      %dma_start3A_86 = arith.constant 0 : i32
      %dma_start3A_87 = tpu.memref_slice %arg6[%arg0, %mul3A_85, %dma_start3A_86] : memref<2x10240x32xf32, #tpu.memory_space<hbm>> -> memref<1x640x32xf32, #tpu.memory_space<hbm>>
      %dma_start3A_88 = tpu.memref_squeeze %dma_start3A_87 : memref<1x640x32xf32, #tpu.memory_space<hbm>> -> memref<640x32xf32, #tpu.memory_space<hbm>>
      %dma_start3A_89 = arith.constant 0 : i32
      %dma_start3A_90 = tpu.memref_slice %arg13[%mul3A_83, %dma_start3A_89] : memref<10240x32xf32, #tpu.memory_space<vmem_shared>> -> memref<640x32xf32, #tpu.memory_space<vmem_shared>>
      tpu.enqueue_dma source(%dma_start3A_90 : memref<640x32xf32, #tpu.memory_space<vmem_shared>>) target(%dma_start3A_88 : memref<640x32xf32, #tpu.memory_space<hbm>>) target_semaphore(%run_scoped3A : memref<!tpu.dma_semaphore, #tpu.memory_space<semaphore_mem>>)
      %dma_wait3A_91 = arith.constant 0 : i32
      %dma_wait3A_92 = tpu.memref_slice %arg6[%arg0, %mul3A_85, %dma_wait3A_91] : memref<2x10240x32xf32, #tpu.memory_space<hbm>> -> memref<1x640x32xf32, #tpu.memory_space<hbm>>
      %dma_wait3A_93 = tpu.memref_squeeze %dma_wait3A_92 : memref<1x640x32xf32, #tpu.memory_space<hbm>> -> memref<640x32xf32, #tpu.memory_space<hbm>>
      %dma_wait3A_94 = arith.constant 0 : i32
      %dma_wait3A_95 = tpu.memref_slice %arg13[%mul3A_83, %dma_wait3A_94] : memref<10240x32xf32, #tpu.memory_space<vmem_shared>> -> memref<640x32xf32, #tpu.memory_space<vmem_shared>>
      tpu.wait_dma2 semaphore(%run_scoped3A : memref<!tpu.dma_semaphore, #tpu.memory_space<semaphore_mem>>) src(%dma_wait3A_95 : memref<640x32xf32, #tpu.memory_space<vmem_shared>>) dst(%dma_wait3A_93 : memref<640x32xf32, #tpu.memory_space<hbm>>)
      tpu.yield
    }) : () -> ()
    return
  }
}

module attributes {stable_mosaic.version = 14 : i64} {
  func.func @_mm2_body(%arg0: i32, %arg1: memref<1024x128xf32, #tpu.memory_space<vmem>>, %arg2: memref<128x32xf32, #tpu.memory_space<vmem>>, %arg3: memref<128x32xf32, #tpu.memory_space<vmem>>, %arg4: memref<1024x32xf32, #tpu.memory_space<vmem>>, %arg5: memref<1024x32xf32, #tpu.memory_space<vmem>>) attributes {dimension_semantics = [#tpu.dimension_semantics<arbitrary>], iteration_bounds = array<i64: 10>, scalar_prefetch = 0 : i64, scratch_operands = 0 : i64, tpu.core_type = #tpu.core_type<tc>, window_params = [{transform_indices = @transform_0, window_bounds = array<i64: 1024, 128>}, {pipeline_mode = #tpu.pipeline_mode<synchronous>, transform_indices = @transform_1, window_bounds = array<i64: 128, 32>}, {pipeline_mode = #tpu.pipeline_mode<synchronous>, transform_indices = @transform_2, window_bounds = array<i64: 128, 32>}, {transform_indices = @transform_3, window_bounds = array<i64: 1024, 32>}, {transform_indices = @transform_4, window_bounds = array<i64: 1024, 32>}]} {
    %get3A = arith.constant 0 : index
    %get3A_0 = arith.constant 0 : index
    %get3A_1 = vector.load %arg1[%get3A, %get3A_0] : memref<1024x128xf32, #tpu.memory_space<vmem>>, vector<1024x128xf32>
    %get3A_2 = arith.constant 0 : index
    %get3A_3 = arith.constant 0 : index
    %get3A_4 = vector.load %arg2[%get3A_2, %get3A_3] : memref<128x32xf32, #tpu.memory_space<vmem>>, vector<128x32xf32>
    %dot_general3A = arith.constant dense<0.000000e+00> : vector<1024x32xf32>
    %dot_general3A_5 = tpu.matmul %get3A_1, %get3A_4, %dot_general3A {dimension_numbers = #tpu.dot_dimension_numbers<[1], [0], [0], [1], [0, 0, 1, 1], [], []>, transpose_lhs_hint = false} : vector<1024x128xf32>, vector<128x32xf32>, vector<1024x32xf32> -> vector<1024x32xf32>
    %swap3A = arith.constant 0 : index
    %swap3A_6 = arith.constant 0 : index
    %swap3A_7 = vector.load %arg4[%swap3A, %swap3A_6] : memref<1024x32xf32, #tpu.memory_space<vmem>>, vector<1024x32xf32>
    tpu.vector_store %arg4[%swap3A, %swap3A_6], %dot_general3A_5 {strides = array<i32>} : memref<1024x32xf32, #tpu.memory_space<vmem>>, vector<1024x32xf32>,
    %get3A_8 = arith.constant 0 : index
    %get3A_9 = arith.constant 0 : index
    %get3A_10 = vector.load %arg3[%get3A_8, %get3A_9] : memref<128x32xf32, #tpu.memory_space<vmem>>, vector<128x32xf32>
    %dot_general3A_11 = arith.constant dense<0.000000e+00> : vector<1024x32xf32>
    %dot_general3A_12 = tpu.matmul %get3A_1, %get3A_10, %dot_general3A_11 {dimension_numbers = #tpu.dot_dimension_numbers<[1], [0], [0], [1], [0, 0, 1, 1], [], []>, transpose_lhs_hint = false} : vector<1024x128xf32>, vector<128x32xf32>, vector<1024x32xf32> -> vector<1024x32xf32>
    %swap3A_13 = arith.constant 0 : index
    %swap3A_14 = arith.constant 0 : index
    %swap3A_15 = vector.load %arg5[%swap3A_13, %swap3A_14] : memref<1024x32xf32, #tpu.memory_space<vmem>>, vector<1024x32xf32>
    tpu.vector_store %arg5[%swap3A_13, %swap3A_14], %dot_general3A_12 {strides = array<i32>} : memref<1024x32xf32, #tpu.memory_space<vmem>>, vector<1024x32xf32>,
    return
  }
  func.func @transform_0(%arg0: i32) -> (i32, i32) {
    %c0_i32 = arith.constant 0 : i32
    %c0_i32_0 = arith.constant 0 : i32
    return %arg0, %c0_i32 : i32, i32
  }
  func.func @transform_1(%arg0: i32) -> (i32, i32) {
    %c0_i32 = arith.constant 0 : i32
    %c0_i32_0 = arith.constant 0 : i32
    %c0_i32_1 = arith.constant 0 : i32
    return %c0_i32, %c0_i32_0 : i32, i32
  }
  func.func @transform_2(%arg0: i32) -> (i32, i32) {
    %c0_i32 = arith.constant 0 : i32
    %c0_i32_0 = arith.constant 0 : i32
    %c0_i32_1 = arith.constant 0 : i32
    return %c0_i32, %c0_i32_0 : i32, i32
  }
  func.func @transform_3(%arg0: i32) -> (i32, i32) {
    %c0_i32 = arith.constant 0 : i32
    %c0_i32_0 = arith.constant 0 : i32
    return %arg0, %c0_i32 : i32, i32
  }
  func.func @transform_4(%arg0: i32) -> (i32, i32) {
    %c0_i32 = arith.constant 0 : i32
    %c0_i32_0 = arith.constant 0 : i32
    return %arg0, %c0_i32 : i32, i32
  }
}

module attributes {stable_mosaic.version = 14 : i64} {
  func.func @_disz1_body(%arg0: i32, %arg1: memref<2x1024x16xf32, #tpu.memory_space<vmem>>, %arg2: memref<1024x32xf32, #tpu.memory_space<vmem>>, %arg3: memref<1024x32xf32, #tpu.memory_space<vmem>>, %arg4: memref<1024x16xf32, #tpu.memory_space<vmem>>) attributes {dimension_semantics = [#tpu.dimension_semantics<arbitrary>], iteration_bounds = array<i64: 10>, scalar_prefetch = 0 : i64, scratch_operands = 0 : i64, tpu.core_type = #tpu.core_type<tc>, window_params = [{transform_indices = @transform_0, window_bounds = array<i64: 2, 1024, 16>}, {transform_indices = @transform_1, window_bounds = array<i64: 1024, 32>}, {transform_indices = @transform_2, window_bounds = array<i64: 1024, 32>}, {transform_indices = @transform_3, window_bounds = array<i64: 1024, 16>}]} {
    %get3A = arith.constant 0 : index
    %get3A_0 = arith.constant 0 : index
    %get3A_1 = arith.constant 0 : index
    %get3A_2 = vector.load %arg1[%get3A, %get3A_0, %get3A_1] : memref<2x1024x16xf32, #tpu.memory_space<vmem>>, vector<1x1024x16xf32>
    %get3A_3 = vector.shape_cast %get3A_2 : vector<1x1024x16xf32> to vector<1024x16xf32>
    %get3A_4 = arith.constant 1 : index
    %get3A_5 = arith.constant 0 : index
    %get3A_6 = arith.constant 0 : index
    %get3A_7 = vector.load %arg1[%get3A_4, %get3A_5, %get3A_6] : memref<2x1024x16xf32, #tpu.memory_space<vmem>>, vector<1x1024x16xf32>
    %get3A_8 = vector.shape_cast %get3A_7 : vector<1x1024x16xf32> to vector<1024x16xf32>
    %add3A = arith.addf %get3A_3, %get3A_8 : vector<1024x16xf32>
    %gt3A = arith.constant 0.000000e+00 : f32
    %gt3A_9 = vector.broadcast %gt3A : f32 to vector<1024x16xf32>
    %gt3A_10 = arith.cmpf ogt, %add3A, %gt3A_9 : vector<1024x16xf32>
    %rsqrt3A = math.rsqrt %add3A : vector<1024x16xf32>
    %jit3A = arith.constant 0.000000e+00 : f32
    %broadcast_in_dim3A = vector.broadcast %jit3A : f32 to vector<1024x16xf32>
    %select_n3A = arith.select %gt3A_10, %rsqrt3A, %broadcast_in_dim3A : vector<1024x16xi1>, vector<1024x16xf32>
    %swap3A = arith.constant 0 : index
    %swap3A_11 = arith.constant 0 : index
    %swap3A_12 = vector.load %arg4[%swap3A, %swap3A_11] : memref<1024x16xf32, #tpu.memory_space<vmem>>, vector<1024x16xf32>
    tpu.vector_store %arg4[%swap3A, %swap3A_11], %select_n3A {strides = array<i32>} : memref<1024x16xf32, #tpu.memory_space<vmem>>, vector<1024x16xf32>,
    %get3A_13 = arith.constant 0 : index
    %get3A_14 = arith.constant 0 : index
    %get3A_15 = vector.load %arg2[%get3A_13, %get3A_14] : memref<1024x32xf32, #tpu.memory_space<vmem>>, vector<1024x32xf32>
    %slice3A = vector.extract_strided_slice %select_n3A {offsets = [0, 0], sizes = [1024, 1], strides = [1, 1]} : vector<1024x16xf32> to vector<1024x1xf32>
    %mul3A = vector.broadcast %slice3A : vector<1024x1xf32> to vector<1024x32xf32>
    %mul3A_16 = arith.mulf %get3A_15, %mul3A : vector<1024x32xf32>
    %swap3A_17 = arith.constant 0 : index
    %swap3A_18 = arith.constant 0 : index
    %swap3A_19 = vector.load %arg3[%swap3A_17, %swap3A_18] : memref<1024x32xf32, #tpu.memory_space<vmem>>, vector<1024x32xf32>
    tpu.vector_store %arg3[%swap3A_17, %swap3A_18], %mul3A_16 {strides = array<i32>} : memref<1024x32xf32, #tpu.memory_space<vmem>>, vector<1024x32xf32>,
    return
  }
  func.func @transform_0(%arg0: i32) -> (i32, i32, i32) {
    %c0_i32 = arith.constant 0 : i32
    %c0_i32_0 = arith.constant 0 : i32
    %c0_i32_1 = arith.constant 0 : i32
    return %c0_i32, %arg0, %c0_i32_0 : i32, i32, i32
  }
  func.func @transform_1(%arg0: i32) -> (i32, i32) {
    %c0_i32 = arith.constant 0 : i32
    %c0_i32_0 = arith.constant 0 : i32
    return %arg0, %c0_i32 : i32, i32
  }
  func.func @transform_2(%arg0: i32) -> (i32, i32) {
    %c0_i32 = arith.constant 0 : i32
    %c0_i32_0 = arith.constant 0 : i32
    return %arg0, %c0_i32 : i32, i32
  }
  func.func @transform_3(%arg0: i32) -> (i32, i32) {
    %c0_i32 = arith.constant 0 : i32
    %c0_i32_0 = arith.constant 0 : i32
    return %arg0, %c0_i32 : i32, i32
  }
}

module attributes {stable_mosaic.version = 14 : i64} {
  func.func @_layer1b_body(%arg0: i32, %arg1: memref<1024x32xf32, #tpu.memory_space<vmem>>, %arg2: memref<2x1024x32xf32, #tpu.memory_space<vmem>>, %arg3: memref<1024x16xf32, #tpu.memory_space<vmem>>, %arg4: memref<1x32xf32, #tpu.memory_space<vmem>>, %arg5: memref<32x64xf32, #tpu.memory_space<vmem>>, %arg6: memref<1024x64xf32, #tpu.memory_space<vmem>>, %arg7: memref<1024x32xf32, #tpu.memory_space<vmem>>) attributes {dimension_semantics = [#tpu.dimension_semantics<arbitrary>], iteration_bounds = array<i64: 10>, scalar_prefetch = 0 : i64, scratch_operands = 0 : i64, tpu.core_type = #tpu.core_type<tc>, window_params = [{transform_indices = @transform_0, window_bounds = array<i64: 1024, 32>}, {transform_indices = @transform_1, window_bounds = array<i64: 2, 1024, 32>}, {transform_indices = @transform_2, window_bounds = array<i64: 1024, 16>}, {pipeline_mode = #tpu.pipeline_mode<synchronous>, transform_indices = @transform_3, window_bounds = array<i64: 1, 32>}, {pipeline_mode = #tpu.pipeline_mode<synchronous>, transform_indices = @transform_4, window_bounds = array<i64: 32, 64>}, {transform_indices = @transform_5, window_bounds = array<i64: 1024, 64>}, {transform_indices = @transform_6, window_bounds = array<i64: 1024, 32>}]} {
    %get3A = arith.constant 0 : index
    %get3A_0 = arith.constant 0 : index
    %get3A_1 = arith.constant 0 : index
    %get3A_2 = vector.load %arg2[%get3A, %get3A_0, %get3A_1] : memref<2x1024x32xf32, #tpu.memory_space<vmem>>, vector<1x1024x32xf32>
    %get3A_3 = vector.shape_cast %get3A_2 : vector<1x1024x32xf32> to vector<1024x32xf32>
    %get3A_4 = arith.constant 1 : index
    %get3A_5 = arith.constant 0 : index
    %get3A_6 = arith.constant 0 : index
    %get3A_7 = vector.load %arg2[%get3A_4, %get3A_5, %get3A_6] : memref<2x1024x32xf32, #tpu.memory_space<vmem>>, vector<1x1024x32xf32>
    %get3A_8 = vector.shape_cast %get3A_7 : vector<1x1024x32xf32> to vector<1024x32xf32>
    %add3A = arith.addf %get3A_3, %get3A_8 : vector<1024x32xf32>
    %get3A_9 = arith.constant 0 : index
    %get3A_10 = arith.constant 0 : index
    %get3A_11 = vector.load %arg3[%get3A_9, %get3A_10] : memref<1024x16xf32, #tpu.memory_space<vmem>>, vector<1024x1xf32>
    %get3A_12 = arith.constant 0 : index
    %get3A_13 = arith.constant 0 : index
    %get3A_14 = vector.load %arg1[%get3A_12, %get3A_13] : memref<1024x32xf32, #tpu.memory_space<vmem>>, vector<1024x32xf32>
    %mul3A = vector.broadcast %get3A_11 : vector<1024x1xf32> to vector<1024x32xf32>
    %mul3A_15 = arith.mulf %mul3A, %add3A : vector<1024x32xf32>
    %sub3A = arith.subf %get3A_14, %mul3A_15 : vector<1024x32xf32>
    %get3A_16 = arith.constant 0 : index
    %get3A_17 = arith.constant 0 : index
    %get3A_18 = vector.load %arg4[%get3A_16, %get3A_17] : memref<1x32xf32, #tpu.memory_space<vmem>>, vector<1x32xf32>
    %add3A_19 = vector.broadcast %get3A_18 : vector<1x32xf32> to vector<1024x32xf32>
    %add3A_20 = arith.addf %sub3A, %add3A_19 : vector<1024x32xf32>
    %max3A = arith.constant 0.000000e+00 : f32
    %max3A_21 = vector.broadcast %max3A : f32 to vector<1024x32xf32>
    %max3A_22 = arith.maximumf %add3A_20, %max3A_21 : vector<1024x32xf32>
    %get3A_23 = arith.constant 0 : index
    %get3A_24 = arith.constant 0 : index
    %get3A_25 = vector.load %arg5[%get3A_23, %get3A_24] : memref<32x64xf32, #tpu.memory_space<vmem>>, vector<32x64xf32>
    %dot_general3A = arith.constant dense<0.000000e+00> : vector<1024x64xf32>
    %dot_general3A_26 = tpu.matmul %max3A_22, %get3A_25, %dot_general3A {dimension_numbers = #tpu.dot_dimension_numbers<[1], [0], [0], [1], [0, 0, 1, 1], [], []>, transpose_lhs_hint = false} : vector<1024x32xf32>, vector<32x64xf32>, vector<1024x64xf32> -> vector<1024x64xf32>
    %swap3A = arith.constant 0 : index
    %swap3A_27 = arith.constant 0 : index
    %swap3A_28 = vector.load %arg6[%swap3A, %swap3A_27] : memref<1024x64xf32, #tpu.memory_space<vmem>>, vector<1024x64xf32>
    tpu.vector_store %arg6[%swap3A, %swap3A_27], %dot_general3A_26 {strides = array<i32>} : memref<1024x64xf32, #tpu.memory_space<vmem>>, vector<1024x64xf32>,
    %mul3A_29 = vector.broadcast %get3A_11 : vector<1024x1xf32> to vector<1024x32xf32>
    %mul3A_30 = arith.mulf %mul3A_29, %max3A_22 : vector<1024x32xf32>
    %swap3A_31 = arith.constant 0 : index
    %swap3A_32 = arith.constant 0 : index
    %swap3A_33 = vector.load %arg7[%swap3A_31, %swap3A_32] : memref<1024x32xf32, #tpu.memory_space<vmem>>, vector<1024x32xf32>
    tpu.vector_store %arg7[%swap3A_31, %swap3A_32], %mul3A_30 {strides = array<i32>} : memref<1024x32xf32, #tpu.memory_space<vmem>>, vector<1024x32xf32>,
    return
  }
  func.func @transform_0(%arg0: i32) -> (i32, i32) {
    %c0_i32 = arith.constant 0 : i32
    %c0_i32_0 = arith.constant 0 : i32
    return %arg0, %c0_i32 : i32, i32
  }
  func.func @transform_1(%arg0: i32) -> (i32, i32, i32) {
    %c0_i32 = arith.constant 0 : i32
    %c0_i32_0 = arith.constant 0 : i32
    %c0_i32_1 = arith.constant 0 : i32
    return %c0_i32, %arg0, %c0_i32_0 : i32, i32, i32
  }
  func.func @transform_2(%arg0: i32) -> (i32, i32) {
    %c0_i32 = arith.constant 0 : i32
    %c0_i32_0 = arith.constant 0 : i32
    return %arg0, %c0_i32 : i32, i32
  }
  func.func @transform_3(%arg0: i32) -> (i32, i32) {
    %c0_i32 = arith.constant 0 : i32
    %c0_i32_0 = arith.constant 0 : i32
    %c0_i32_1 = arith.constant 0 : i32
    return %c0_i32, %c0_i32_0 : i32, i32
  }
  func.func @transform_4(%arg0: i32) -> (i32, i32) {
    %c0_i32 = arith.constant 0 : i32
    %c0_i32_0 = arith.constant 0 : i32
    %c0_i32_1 = arith.constant 0 : i32
    return %c0_i32, %c0_i32_0 : i32, i32
  }
  func.func @transform_5(%arg0: i32) -> (i32, i32) {
    %c0_i32 = arith.constant 0 : i32
    %c0_i32_0 = arith.constant 0 : i32
    return %arg0, %c0_i32 : i32, i32
  }
  func.func @transform_6(%arg0: i32) -> (i32, i32) {
    %c0_i32 = arith.constant 0 : i32
    %c0_i32_0 = arith.constant 0 : i32
    return %arg0, %c0_i32 : i32, i32
  }
}

module attributes {stable_mosaic.version = 14 : i64} {
  func.func @_final_body(%arg0: i32, %arg1: memref<1024x64xf32, #tpu.memory_space<vmem>>, %arg2: memref<2x1024x32xf32, #tpu.memory_space<vmem>>, %arg3: memref<1024x16xf32, #tpu.memory_space<vmem>>, %arg4: memref<1x64xf32, #tpu.memory_space<vmem>>, %arg5: memref<32x64xf32, #tpu.memory_space<vmem>>, %arg6: memref<1024x64xf32, #tpu.memory_space<vmem>>) attributes {dimension_semantics = [#tpu.dimension_semantics<arbitrary>], iteration_bounds = array<i64: 10>, scalar_prefetch = 0 : i64, scratch_operands = 0 : i64, tpu.core_type = #tpu.core_type<tc>, window_params = [{transform_indices = @transform_0, window_bounds = array<i64: 1024, 64>}, {transform_indices = @transform_1, window_bounds = array<i64: 2, 1024, 32>}, {transform_indices = @transform_2, window_bounds = array<i64: 1024, 16>}, {pipeline_mode = #tpu.pipeline_mode<synchronous>, transform_indices = @transform_3, window_bounds = array<i64: 1, 64>}, {pipeline_mode = #tpu.pipeline_mode<synchronous>, transform_indices = @transform_4, window_bounds = array<i64: 32, 64>}, {transform_indices = @transform_5, window_bounds = array<i64: 1024, 64>}]} {
    %get3A = arith.constant 0 : index
    %get3A_0 = arith.constant 0 : index
    %get3A_1 = arith.constant 0 : index
    %get3A_2 = vector.load %arg2[%get3A, %get3A_0, %get3A_1] : memref<2x1024x32xf32, #tpu.memory_space<vmem>>, vector<1x1024x32xf32>
    %get3A_3 = vector.shape_cast %get3A_2 : vector<1x1024x32xf32> to vector<1024x32xf32>
    %get3A_4 = arith.constant 1 : index
    %get3A_5 = arith.constant 0 : index
    %get3A_6 = arith.constant 0 : index
    %get3A_7 = vector.load %arg2[%get3A_4, %get3A_5, %get3A_6] : memref<2x1024x32xf32, #tpu.memory_space<vmem>>, vector<1x1024x32xf32>
    %get3A_8 = vector.shape_cast %get3A_7 : vector<1x1024x32xf32> to vector<1024x32xf32>
    %add3A = arith.addf %get3A_3, %get3A_8 : vector<1024x32xf32>
    %get3A_9 = arith.constant 0 : index
    %get3A_10 = arith.constant 0 : index
    %get3A_11 = vector.load %arg3[%get3A_9, %get3A_10] : memref<1024x16xf32, #tpu.memory_space<vmem>>, vector<1024x1xf32>
    %get3A_12 = arith.constant 0 : index
    %get3A_13 = arith.constant 0 : index
    %get3A_14 = vector.load %arg5[%get3A_12, %get3A_13] : memref<32x64xf32, #tpu.memory_space<vmem>>, vector<32x64xf32>
    %dot_general3A = arith.constant dense<0.000000e+00> : vector<1024x64xf32>
    %dot_general3A_15 = tpu.matmul %add3A, %get3A_14, %dot_general3A {dimension_numbers = #tpu.dot_dimension_numbers<[1], [0], [0], [1], [0, 0, 1, 1], [], []>, transpose_lhs_hint = false} : vector<1024x32xf32>, vector<32x64xf32>, vector<1024x64xf32> -> vector<1024x64xf32>
    %get3A_16 = arith.constant 0 : index
    %get3A_17 = arith.constant 0 : index
    %get3A_18 = vector.load %arg1[%get3A_16, %get3A_17] : memref<1024x64xf32, #tpu.memory_space<vmem>>, vector<1024x64xf32>
    %mul3A = vector.broadcast %get3A_11 : vector<1024x1xf32> to vector<1024x64xf32>
    %mul3A_19 = arith.mulf %mul3A, %dot_general3A_15 : vector<1024x64xf32>
    %sub3A = arith.subf %get3A_18, %mul3A_19 : vector<1024x64xf32>
    %get3A_20 = arith.constant 0 : index
    %get3A_21 = arith.constant 0 : index
    %get3A_22 = vector.load %arg4[%get3A_20, %get3A_21] : memref<1x64xf32, #tpu.memory_space<vmem>>, vector<1x64xf32>
    %add3A_23 = vector.broadcast %get3A_22 : vector<1x64xf32> to vector<1024x64xf32>
    %add3A_24 = arith.addf %sub3A, %add3A_23 : vector<1024x64xf32>
    %reduce_max3A = arith.constant dense<0xFF800000> : vector<1024xf32>
    %reduce_max3A_25 = vector.multi_reduction <maximumf>, %add3A_24, %reduce_max3A [1] : vector<1024x64xf32> to vector<1024xf32>
    %broadcast_in_dim3A = vector.shape_cast %reduce_max3A_25 : vector<1024xf32> to vector<1024x1xf32>
    %sub3A_26 = vector.broadcast %broadcast_in_dim3A : vector<1024x1xf32> to vector<1024x64xf32>
    %sub3A_27 = arith.subf %add3A_24, %sub3A_26 : vector<1024x64xf32>
    %exp3A = math.exp %sub3A_27 : vector<1024x64xf32>
    %reduce_sum3A = arith.constant dense<0.000000e+00> : vector<1024xf32>
    %reduce_sum3A_28 = vector.multi_reduction <add>, %exp3A, %reduce_sum3A [1] : vector<1024x64xf32> to vector<1024xf32>
    %broadcast_in_dim3A_29 = vector.shape_cast %reduce_sum3A_28 : vector<1024xf32> to vector<1024x1xf32>
    %log3A = math.log %broadcast_in_dim3A_29 : vector<1024x1xf32>
    %sub3A_30 = vector.broadcast %log3A : vector<1024x1xf32> to vector<1024x64xf32>
    %sub3A_31 = arith.subf %sub3A_27, %sub3A_30 : vector<1024x64xf32>
    %swap3A = arith.constant 0 : index
    %swap3A_32 = arith.constant 0 : index
    %swap3A_33 = vector.load %arg6[%swap3A, %swap3A_32] : memref<1024x64xf32, #tpu.memory_space<vmem>>, vector<1024x64xf32>
    tpu.vector_store %arg6[%swap3A, %swap3A_32], %sub3A_31 {strides = array<i32>} : memref<1024x64xf32, #tpu.memory_space<vmem>>, vector<1024x64xf32>,
    return
  }
  func.func @transform_0(%arg0: i32) -> (i32, i32) {
    %c0_i32 = arith.constant 0 : i32
    %c0_i32_0 = arith.constant 0 : i32
    return %arg0, %c0_i32 : i32, i32
  }
  func.func @transform_1(%arg0: i32) -> (i32, i32, i32) {
    %c0_i32 = arith.constant 0 : i32
    %c0_i32_0 = arith.constant 0 : i32
    %c0_i32_1 = arith.constant 0 : i32
    return %c0_i32, %arg0, %c0_i32_0 : i32, i32, i32
  }
  func.func @transform_2(%arg0: i32) -> (i32, i32) {
    %c0_i32 = arith.constant 0 : i32
    %c0_i32_0 = arith.constant 0 : i32
    return %arg0, %c0_i32 : i32, i32
  }
  func.func @transform_3(%arg0: i32) -> (i32, i32) {
    %c0_i32 = arith.constant 0 : i32
    %c0_i32_0 = arith.constant 0 : i32
    %c0_i32_1 = arith.constant 0 : i32
    return %c0_i32, %c0_i32_0 : i32, i32
  }
  func.func @transform_4(%arg0: i32) -> (i32, i32) {
    %c0_i32 = arith.constant 0 : i32
    %c0_i32_0 = arith.constant 0 : i32
    %c0_i32_1 = arith.constant 0 : i32
    return %c0_i32, %c0_i32_0 : i32, i32
  }
  func.func @transform_5(%arg0: i32) -> (i32, i32) {
    %c0_i32 = arith.constant 0 : i32
    %c0_i32_0 = arith.constant 0 : i32
    return %arg0, %c0_i32 : i32, i32
  }
}

</mosaic_0001>

<sc_bundles>
// kernel: kernel.12.cloned.1.call-start
scs
__scs_entry_jumppad:
0x0: {  	(pc) =	sbr.rel $0x88, $3  }
0x1: {  	(tag) =	ssettag $0x0;
	lr =	simm.s32 $0x1  }
0x2: {  	[smem:$0x3F99] =	sst lr;
	_ =	strace $0xD0000000  }
0x3: {  	_ = 	snop  }
0x4: {  	_ = 	snop  }
0x5: {  	_ = 	snop  }
0x6: {  	_ = 	snop  }
0x7: {  	_ = 	snop  }
__scs_overlays_trampoline_lowered:
0x8: {  	[smem:$0x3FA8] =	sst s0  }
0x9: {  	[smem:$0x3FA9] =	sst s1  }
0xa: {  	[smem:$0x3FAA] =	sst s2  }
0xb: {  	[smem:$0x3FAB] =	sst s3  }
0xc: {  	[smem:$0x3FAC] =	sst s4  }
0xd: {  	[smem:$0x3FAD] =	sst s5  }
0xe: {  	[smem:$0x3FAE] =	sst s6  }
0xf: {  	[smem:$0x3FAF] =	sst s7  }
0x10: {  	[smem:$0x3FB0] =	sst s8  }
0x11: {  	[smem:$0x3FB1] =	sst s9;
	s0 =	simm.s32 @!p0 $0x0  }
0x12: {  	s1 =	sld [smem:$0x3F97];
	s0 =	simm.s32 @p0 $0x1  }
0x13: {  	[smem:$0x3FB2] =	sst s0;
	s0 =	simm.s32 @!p1 $0x0  }
0x14: {  	s2 =	sld [smem:$0x3F96];
	s0 =	simm.s32 @p1 $0x1  }
0x15: {  	[smem:$0x3FB3] =	sst s0;
	s0 =	simm.s32 @!p2 $0x0  }
0x16: {  	s3 =	sld [smem:$0x3FDB];
	s0 =	simm.s32 @p2 $0x1  }
0x17: {  	s4 =	simm.s32 $0x1BF5;
	[smem:$0x3FB5] =	sst s0  }
0x18: {  	s0 =	sld [smem:$0x3F98];
	_ =	swait.ge [sflag:s4], $0x0  }
0x19: {  	s7 =	sld [smem:$0x3F99]  }
0x1a: {  	s8 =	sadd.s32 $0xFFFFE003, lr  }
0x1b: {  	s9 =	sadd.s32 $0xFFFFFEF7, lr;
	s5 =	simm.s32 $0xFFFFFFFF;
	p2 =	slt.u32 s8, $0xFFFFF086  }
0x1c: {  	p1 =	slt.u32 s9, $0xF7A;
	s5 =	simm.s32 @!p2 $0x0  }
0x1d: {  	s5 =	simm.s32 @p1 $0x1;
	p0 =	seq.s32 s7, s2  }
0x1e: {  	s7 =	smul.u32 @!p0 $0xF7A, s2;
	p2 =	seq.s32 @!p0 s5, $0x0  }
0x1f: {  	s9 =	smul.u32 $0xF7A, s1;
	s8 =	simm.s32 @!p0 $0x1BF5;
	p2 =	por !p2, p0  }
0x20: {  	[sflag:s8] =	ssyncset.s32 @!p0 $0xFFFFF086;
	s6 =	sadd.s32 @!p0 s3, s7;
	s7 =	simm.s32 @!p0 $0x108  }
0x21: {  	s3 =	sadd.s32 s3, s9;
	s6 =	sadd.s32 @!p0 $0x88, s6;
	s7 =	simm.s32 @p2 $0x1082  }
0x22: {  	[simem:s7], [sflag:s8] =	dma.local @!p0 [hbm:s6], $0xF7A  }
0x23: {  	s9 =	sor.u32 $0xD0000000, s2;
	s6 =	simm.s32 $0x108;
	_ =	swait.ge @!p0 [sflag:s8], $0x0  }
0x24: {  	s3 =	sadd.s32 $0x88, s3;
	s6 =	simm.s32 @!p1 $0x1082;
	[sflag:s4] =	ssyncset.s32 $0xFFFFF086  }
0x25: {  	[simem:s6], [sflag:s4] =	dma.local [hbm:s3], $0xF7A  }
0x26: {  	[smem:$0x3F99] =	sst s1;
	(tag) =	ssettag s2;
	_ =	strace s9  }
0x27: {  	s1 =	sld [smem:$0x3FA9]  }
0x28: {  	s2 =	sld [smem:$0x3FAA]  }
0x29: {  	s4 =	sld [smem:$0x3FAC]  }
0x2a: {  	p0 =	seq.s32 s5, $0x0;
	s5 =	sld [smem:$0x3FAD]  }
0x2b: {  	s6 =	sld [smem:$0x3FAE]  }
0x2c: {  	s7 =	sld [smem:$0x3FAF]  }
0x2d: {  	s3 =	simm.s32 $0x108;
	s8 =	sld [smem:$0x3FB0]  }
0x2e: {  	s3 =	simm.s32 @!p0 $0x1082;
	s9 =	sld [smem:$0x3FB1]  }
0x2f: {  	lr =	sadd.s32 s0, s3;
	s0 =	sld [smem:$0x3FA8]  }
0x30: {  	s3 =	sld [smem:$0x3FAB]  }
0x31: {  	[smem:$0x3FB4] =	sst s10  }
0x32: {  	s10 =	sld [smem:$0x3FB2];
	_ =	sdelay $0x3  }
0x33: {  	p0 =	seq.s32 s10, $0x1;
	s10 =	sld [smem:$0x3FB4];
	_ =	sdelay $0x3  }
0x34: {  	[smem:$0x3FB4] =	sst s10  }
0x35: {  	s10 =	sld [smem:$0x3FB3];
	_ =	sdelay $0x3  }
0x36: {  	p1 =	seq.s32 s10, $0x1;
	s10 =	sld [smem:$0x3FB4];
	_ =	sdelay $0x3  }
0x37: {  	[smem:$0x3FB4] =	sst s10  }
0x38: {  	s10 =	sld [smem:$0x3FB5]  }
0x39: {  	_ = 	snop;
	(pc) =	sbr.ind lr, $3  }
0x3a: {  	_ = 	snop  }
0x3b: {  	_ = 	snop  }
0x3c: {  	p2 =	seq.s32 s10, $0x1;
	s10 =	sld [smem:$0x3FB4]  }
0x3d: {  	_ =	shalt  }
0x3e: {  	_ =	shalt  }
0x3f: {  	_ =	shalt  }
0x40: {  	_ =	shalt  }
0x41: {  	_ =	shalt  }
0x42: {  	_ =	shalt  }
0x43: {  	_ =	shalt  }
0x44: {  	_ =	shalt  }
0x45: {  	_ =	shalt  }
0x46: {  	_ =	shalt  }
0x47: {  	_ =	shalt  }
0x48: {  	_ =	shalt  }
0x49: {  	_ =	shalt  }
0x4a: {  	_ =	shalt  }
0x4b: {  	_ =	shalt  }
0x4c: {  	_ =	shalt  }
0x4d: {  	_ =	shalt  }
0x4e: {  	_ =	shalt  }
0x4f: {  	_ =	shalt  }
0x50: {  	_ =	shalt  }
0x51: {  	_ =	shalt  }
0x52: {  	_ =	shalt  }
0x53: {  	_ =	shalt  }
0x54: {  	_ =	shalt  }
0x55: {  	_ =	shalt  }
0x56: {  	_ =	shalt  }
0x57: {  	_ =	shalt  }
0x58: {  	_ =	shalt  }
0x59: {  	_ =	shalt  }
0x5a: {  	_ =	shalt  }
0x5b: {  	_ =	shalt  }
0x5c: {  	_ =	shalt  }
0x5d: {  	_ =	shalt  }
0x5e: {  	_ =	shalt  }
0x5f: {  	_ =	shalt  }
0x60: {  	_ =	shalt  }
0x61: {  	_ =	shalt  }
0x62: {  	_ =	shalt  }
0x63: {  	_ =	shalt  }
0x64: {  	_ =	shalt  }
0x65: {  	_ =	shalt  }
0x66: {  	_ =	shalt  }
0x67: {  	_ =	shalt  }
0x68: {  	_ =	shalt  }
0x69: {  	_ =	shalt  }
0x6a: {  	_ =	shalt  }
0x6b: {  	_ =	shalt  }
0x6c: {  	_ =	shalt  }
0x6d: {  	_ =	shalt  }
0x6e: {  	_ =	shalt  }
0x6f: {  	_ =	shalt  }
0x70: {  	_ =	shalt  }
0x71: {  	_ =	shalt  }
0x72: {  	_ =	shalt  }
0x73: {  	_ =	shalt  }
0x74: {  	_ =	shalt  }
0x75: {  	_ =	shalt  }
0x76: {  	_ =	shalt  }
0x77: {  	_ =	shalt  }
0x78: {  	_ =	shalt  }
0x79: {  	_ =	shalt  }
0x7a: {  	_ =	shalt  }
0x7b: {  	_ =	shalt  }
0x7c: {  	_ =	shalt  }
0x7d: {  	_ =	shalt  }
0x7e: {  	_ =	shalt  }
0x7f: {  	_ =	shalt  }
0x80: {  	_ =	shalt  }
0x81: {  	_ =	shalt  }
0x82: {  	_ =	shalt  }
0x83: {  	_ =	shalt  }
0x84: {  	_ =	shalt  }
0x85: {  	_ =	shalt  }
0x86: {  	_ =	shalt  }
0x87: {  	_ =	shalt  }
.Lfunc_end0:
.L_simem_size_0:
called_computation.1_lowered:
.L_overlay_start_0:
0x88: {  	s2 =	sld [smem:$0x3FD9]  }
0x89: {  	s3 =	sld [smem:$0x3FFE];
	_ =	sdelay $0x1  }
0x8a: {  	s1 =	srdreg.scid  }
0x8b: {  	s0 =	sand.u32 $0x1, s1  }
0x8c: {  	s17 =	sshll.u32 s0, $0xA;
	s2 =	sadd.s32 s3, s2  }
0x8d: {  	s2 =	sadd.s32 s2, s17  }
0x8e: {  	[smem:$0x3FC0] =	sst s2  }
0x8f: {  	_ = 	snop  }
0x90: {  	s2 =	sld [smem:$0x3FD0];
	(tm) =	ssettm $0x1  }
0x91: {  	s18 =	sld [smem:$0x3FFB];
	_ =	sdelay $0x3  }
0x92: {  	_ =	strace s18  }
0x93: {  	s3 =	sld [smem:$0x3FFC];
	_ =	sdelay $0x3  }
0x94: {  	_ =	strace s3  }
0x95: {  	s3 =	sld [smem:$0x3FFD];
	_ =	sdelay $0x3  }
0x96: {  	_ =	strace s3  }
0x97: {  	_ =	strace $0x8FFFFFFF  }
0x98: {  	s19 =	sld [smem:$0x3FDB];
	_ =	sdelay $0x1  }
0x99: {  	s4 =	simm.s32 $_scs_section_size  }
0x9a: {  	s5 =	simm.s32 $_size__tile_overlayer_lowered;
	s6 =	simm.s32 $_tile_overlayer_lowered  }
0x9b: {  	s22 =	simm.s32 $0x1BFF;
	s21 =	sshll.u32 s6, $0x1;
	s3 =	sadd.s32 s4, s19  }
0x9c: {  	s7 =	simm.s32 $0x0;
	s20 =	sshll.u32 s5, $0x1;
	s5 =	sadd.s32 s21, s3  }
0x9d: {  	[timem:s7], [sflag:s22] =	dma.local [hbm:s5], s20  }
0x9e: {  	_ =	swait.ge [sflag:s22], s20  }
0x9f: {  	s4 =	ssub.s32 $0x0, s20;
	[sflag:s22] =	ssyncset.done $0x0  }
0xa0: {  	[sflag:s22] =	ssyncadd.s32 s4;
	_ =	sdelay $0x1  }
0xa1: {  	s23 =	simm.s32 $0x1B8B  }
0xa2: {  	_ =	swait.ge [sflag:s23], $0x1  }
0xa3: {  	[sflag:s23] =	ssyncset.done $0x0  }
0xa4: {  	s25 =	simm.s32 $0x1B8E;
	s24 =	sld [smem:$0x3FFE];
	[sflag:s23] =	ssyncadd.s32 $0xFFFFFFFF  }
0xa5: {  	s26 =	simm.s32 $execute0_lowered;
	[smem:$0x3FD2] =	sst s25  }
0xa6: {  	s5 =	sshll.u32 s26, $0x1;
	_ =	strace $0x80000049;
	[dreg:$0x1] =	wrdreg $0xFFFFFFFF  }
0xa7: {  	s28 =	simm.s32 $_size_execute0_lowered;
	s3 =	sadd.s32 s3, s5;
	[dreg:$0x0] =	wrdreg $0x0  }
0xa8: {  	s5 =	sshll.u32 s28, $0x1;
	[dreg:$0x2] =	wrdreg s3  }
0xa9: {  	[dreg:$0x3] =	wrdreg s5  }
0xaa: {  	[dreg:$0x4] =	wrdreg $0xC0  }
0xab: {  	_ =	task [dreg:s7], $0x5FFFF  }
0xac: {  	[dreg:$0x1] =	wrdreg $0xFFFFFFFF  }
0xad: {  	[dreg:$0x0] =	wrdreg $0x60  }
0xae: {  	[dreg:$0x2] =	wrdreg s24  }
0xaf: {  	[dreg:$0x3] =	wrdreg s2  }
0xb0: {  	[dreg:$0x4] =	wrdreg $0x90000  }
0xb1: {  	[dreg:$0x5] =	wrdreg $0xE0000  }
0xb2: {  	[dreg:$0x6] =	wrdreg $0x9  }
0xb3: {  	_ =	task.clear_ibuf [dreg:s7], $0x7FFFF;
	_ =	strace $0x90000049  }
0xb4: {  	s29 =	simm.s32 $0x9;
	_ =	strace $0x8000004B  }
0xb5: {  	_ =	swait.ge [sflag:s29], $0x1  }
0xb6: {  	[sflag:s29] =	ssyncadd.s32 $0xFFFFFFFF  }
0xb7: {  	_ =	strace $0x9000004B  }
0xb8: {  	_ =	sfence  }
0xb9: {  	s30 =	sld [smem:$0x0];
	_ =	sdelay $0x2  }
0xba: {  	s31 =	sshll.u32 s1, $0xD;
	s1 =	sshrl.u32 s1, $0x2  }
0xbb: {  	s3 =	sand.u32 $0x4000, s31;
	s1 =	sadd.s32 s1, s30  }
0xbc: {  	s0 =	sor.u32 s3, s0;
	s1 =	sshll.u32 s1, $0x11  }
0xbd: {  	s0 =	sor.u32 s1, s0  }
0xbe: {  	s0 =	sadd.s32 $0x8F2B, s0  }
0xbf: {  	[sflag:s0] =	ssyncadd.remote.s32 $0x1  }
0xc0: {  	_ =	sfence.sel $0xFFFF  }
0xc1: {  	[dreg:$0x0] =	wrdreg $0xFFFFFFFF;
	(pc) =	sbr.abs _section_cstart, $3  }
0xc2: {  	[dreg:$0x1] =	wrdreg $0xFFFFFFFF  }
0xc3: {  	_ =	task.clear_ibuf [dreg:s7], $0x2FFFF;
	_ =	strace $0x9FFFFFFF  }
0xc4: {  	(tm) =	ssettm $0x7FFFFFFF  }
0xc5: {  	_ =	shalt  }
tec
execute0_lowered:
.L_overlay_start_1:
0x0: {  	(tag) =	ssettag $0x1  }
0x1: {  	s0 =	rddreg [dreg:$0x0]  }
0x2: {  	s1 =	rddreg [dreg:$0x1]  }
0x3: {  	s2 =	rddreg [dreg:$0x2]  }
0x4: {  	s3 =	rddreg [dreg:$0x3]  }
0x5: {  	s4 =	srdreg.scid;
	s13 =	stileid.u32;
	s17 =	simm.s32 $0x1  }
0x6: {  	s18 =	simm.s32 $0x2;
	s19 =	simm.s32 $0x3;
	s20 =	simm.s32 $0x4  }
0x7: {  	s21 =	simm.s32 $0x80;
	s22 =	simm.s32 $0x5000;
	s23 =	simm.s32 $0x6000  }
0x8: {  	s25 =	simm.s32 $0x7000;
	s26 =	simm.s32 $0x8000;
	s28 =	simm.s32 $0x5  }
0x9: {  	s5 =	sand.u32 $0x1, s4;
	s4 =	simm.s32 $0x0;
	s10 =	smul.u32 $0x5000, s13  }
0xa: {  	s6 =	sshll.u32 s5, $0x4;
	[smem:$0x7FF] =	sst s4;
	s7 =	smul.u32 $0x50000, s5  }
0xb: {  	s5 =	ssub.s32 $0x2, s5;
	s6 =	sor.u32 s13, s6;
	_ =	strace $0x8000004A  }
0xc: {  	s8 =	sshrl.u32 s10, $0x3;
	s9 =	sshrl.u32 s5, $0x1;
	s30 =	sadd.s32 s10, s2  }
0xd: {  	s31 =	sadd.s32 s10, s3;
	s6 =	smul.u32 $0x500, s6;
	s11 =	sadd.s32 s8, s0  }
0xe: {  	s7 =	sadd.s32 s10, s7;
	s12 =	ssub.s32 s5, s9;
	s14 =	sshrl.u32 s30, $0x3  }
0xf: {  	s16 =	sshrl.u32 s31, $0x3;
	s7 =	sshrl.u32 s7, $0x3;
	s8 =	sadd.s32 $0x1B000, s11  }
0x10: {  	s10 =	sadd.s32 $0x1E00, s11;
	s12 =	smax.u32 s12, $0x1;
	s29 =	sadd.s32 s6, s0  }
0x11: {  	s0 =	sadd.s32 s7, s0;
	s5 =	sadd.s32 s1, s6;
	s7 =	sshll.u32 s13, $0x6  }
0x12: {  	s1 =	simm.s32 $0x4F80;
	s13 =	simm.s32 $0x0;
	s6 =	sadd.s32 $0x11000, s29  }
0x13: {  	s9 =	sor.u32 $0x1C03, s7;
	s11 =	sadd.s32 $0x25000, s0;
	s15 =	sor.u32 $0x1C04, s7  }
.LBB2_1:
0x14: {  	[tilespmem:s4], [sflag:$0x1] =	stream.linear.gather [hbm4b:s5+s4], $0x2800, $0x38;
	[tilespmem:$0x13000] =	vst v63  }
0x15: {  	s0 =	simm.s32 $0x2800  }
0x16: {  	[tilespmem:s0], [sflag:$0x2] =	stream.linear.gather [hbm4b:s6+s4], $0x2800, $0x38;
	[tilespmem:$0x13000] =	vst v63  }
0x17: {  	[spmem:s14], [sflag:s9] =	dma.local [hbm:s8], $0xA00  }
0x18: {  	[spmem:s16], [sflag:s15] =	dma.local [hbm:s10], $0xA00  }
0x19: {  	_ =	swait.ge [sflag:s17], $0x2800  }
0x1a: {  	[sflag:s17] =	ssyncset.done $0x0  }
0x1b: {  	[sflag:s17] =	ssyncadd.s32 $0xFFFFD800  }
0x1c: {  	_ =	swait.ge [sflag:s18], $0x2800  }
0x1d: {  	[sflag:s18] =	ssyncset.done $0x0  }
0x1e: {  	[sflag:s18] =	ssyncadd.s32 $0xFFFFD800  }
0x1f: {  	_ =	swait.ge [sflag:s19], $0xA00  }
0x20: {  	[sflag:s19] =	ssyncset.done $0x0  }
0x21: {  	[sflag:s19] =	ssyncadd.s32 $0xFFFFF600  }
0x22: {  	_ =	swait.ge [sflag:s20], $0xA00  }
0x23: {  	[sflag:s20] =	ssyncset.done $0x0  }
0x24: {  	[sflag:s20] =	ssyncadd.s32 $0xFFFFF600  }
0x25: {  	[bflag:$0x0] =	sbarrier.arrive $0xFFFF  }
0x26: {  	[tilespmem:s22], [sflag:$0x1] =	stream.indirect.gather [spmem:s3], $0x20, s4, s21, $0xb8;
	[tilespmem:$0x13000] =	vst v63  }
0x27: {  	_ = 	snop  }
0x28: {  	[tilespmem:s23], [sflag:$0x2] =	stream.indirect.gather [spmem:s3], $0x20, s21, s21, $0xb8;
	[tilespmem:$0x13000] =	vst v63  }
0x29: {  	s30 =	simm.s32 $0x100  }
0x2a: {  	[tilespmem:s25], [sflag:$0x3] =	stream.indirect.gather [spmem:s3], $0x20, s30, s21, $0xb8;
	[tilespmem:$0x13000] =	vst v63  }
0x2b: {  	s24 =	simm.s32 $0x180  }
0x2c: {  	[tilespmem:s26], [sflag:$0x4] =	stream.indirect.gather [spmem:s3], $0x20, s24, s21, $0xb8;
	[tilespmem:$0x13000] =	vst v63  }
0x2d: {  	_ =	swait.ge [sflag:s17], $0x1000  }
0x2e: {  	[sflag:s17] =	ssyncset.done $0x0  }
0x2f: {  	s31 =	simm.s32 $0x2800;
	[sflag:s17] =	ssyncadd.s32 $0xFFFFF000  }
0x30: {  	[spmem:s2] =	stream.indirect.scatter.add.f32 [tilespmem:s22], [sflag:$0x5], $0x20, s31, s21, $0xb8;
	[tilespmem:$0x13000] =	vst v63  }
0x31: {  	_ =	swait.ge [sflag:s28], $0x1000  }
0x32: {  	[sflag:s28] =	ssyncset.done $0x0  }
0x33: {  	s0 =	simm.s32 $0x200;
	[sflag:s28] =	ssyncadd.s32 $0xFFFFF000  }
0x34: {  	[tilespmem:s22], [sflag:$0x1] =	stream.indirect.gather [spmem:s3], $0x20, s0, s21, $0xb8;
	[tilespmem:$0x13000] =	vst v63  }
0x35: {  	_ =	swait.ge [sflag:s18], $0x1000  }
0x36: {  	[sflag:s18] =	ssyncset.done $0x0  }
0x37: {  	s30 =	simm.s32 $0x2880;
	[sflag:s18] =	ssyncadd.s32 $0xFFFFF000  }
0x38: {  	[spmem:s2] =	stream.indirect.scatter.add.f32 [tilespmem:s23], [sflag:$0x5], $0x20, s30, s21, $0xb8;
	[tilespmem:$0x13000] =	vst v63  }
0x39: {  	_ =	swait.ge [sflag:s28], $0x1000  }
0x3a: {  	[sflag:s28] =	ssyncset.done $0x0  }
0x3b: {  	s31 =	simm.s32 $0x280;
	[sflag:s28] =	ssyncadd.s32 $0xFFFFF000  }
0x3c: {  	[tilespmem:s23], [sflag:$0x2] =	stream.indirect.gather [spmem:s3], $0x20, s31, s21, $0xb8;
	[tilespmem:$0x13000] =	vst v63  }
0x3d: {  	_ =	swait.ge [sflag:s19], $0x1000  }
0x3e: {  	[sflag:s19] =	ssyncset.done $0x0  }
0x3f: {  	s0 =	simm.s32 $0x2900;
	[sflag:s19] =	ssyncadd.s32 $0xFFFFF000  }
0x40: {  	[spmem:s2] =	stream.indirect.scatter.add.f32 [tilespmem:s25], [sflag:$0x5], $0x20, s0, s21, $0xb8;
	[tilespmem:$0x13000] =	vst v63  }
0x41: {  	_ =	swait.ge [sflag:s28], $0x1000  }
0x42: {  	[sflag:s28] =	ssyncset.done $0x0  }
0x43: {  	s30 =	simm.s32 $0x300;
	[sflag:s28] =	ssyncadd.s32 $0xFFFFF000  }
0x44: {  	[tilespmem:s25], [sflag:$0x3] =	stream.indirect.gather [spmem:s3], $0x20, s30, s21, $0xb8;
	[tilespmem:$0x13000] =	vst v63  }
0x45: {  	_ =	swait.ge [sflag:s20], $0x1000  }
0x46: {  	[sflag:s20] =	ssyncset.done $0x0  }
0x47: {  	s31 =	simm.s32 $0x2980;
	[sflag:s20] =	ssyncadd.s32 $0xFFFFF000  }
0x48: {  	[spmem:s2] =	stream.indirect.scatter.add.f32 [tilespmem:s26], [sflag:$0x5], $0x20, s31, s21, $0xb8;
	[tilespmem:$0x13000] =	vst v63  }
0x49: {  	_ =	swait.ge [sflag:s28], $0x1000  }
0x4a: {  	s29 =	simm.s32 $0x1000;
	s24 =	simm.s32 $0x200;
	[sflag:s28] =	ssyncset.done $0x0  }
.LBB2_2:
0x4b: {  	s0 =	sadd.s32 $0x180, s24  }
0x4c: {  	[sflag:s28] =	ssyncadd.s32 $0xFFFFF000;
	s30 =	smov.u32 s29;
	s31 =	sadd.s32 $0x800, s29  }
0x4d: {  	[tilespmem:s26], [sflag:$0x4] =	stream.indirect.gather [spmem:s3], $0x20, s0, s21, $0xb8;
	[tilespmem:$0x13000] =	vst v63  }
0x4e: {  	p0 =	sne.s32 s29, $0x9000;
	_ =	swait.ge [sflag:s17], $0x1000  }
0x4f: {  	[sflag:s17] =	ssyncset.done $0x0  }
0x50: {  	s0 =	sadd.s32 $0x2800, s24;
	[sflag:s17] =	ssyncadd.s32 $0xFFFFF000  }
0x51: {  	[spmem:s2] =	stream.indirect.scatter.add.f32 [tilespmem:s22], [sflag:$0x5], $0x20, s0, s21, $0xb8;
	[tilespmem:$0x13000] =	vst v63  }
0x52: {  	_ =	swait.ge [sflag:s28], $0x1000  }
0x53: {  	[sflag:s28] =	ssyncset.done $0x0  }
0x54: {  	s0 =	sadd.s32 $0x200, s24;
	[sflag:s28] =	ssyncadd.s32 $0xFFFFF000  }
0x55: {  	[tilespmem:s22], [sflag:$0x1] =	stream.indirect.gather [spmem:s3], $0x20, s0, s21, $0xb8;
	[tilespmem:$0x13000] =	vst v63  }
0x56: {  	_ =	swait.ge [sflag:s18], $0x1000  }
0x57: {  	[sflag:s18] =	ssyncset.done $0x0  }
0x58: {  	s0 =	sadd.s32 $0x2880, s24;
	[sflag:s18] =	ssyncadd.s32 $0xFFFFF000  }
0x59: {  	[spmem:s2] =	stream.indirect.scatter.add.f32 [tilespmem:s23], [sflag:$0x5], $0x20, s0, s21, $0xb8;
	[tilespmem:$0x13000] =	vst v63  }
0x5a: {  	_ =	swait.ge [sflag:s28], $0x1000  }
0x5b: {  	[sflag:s28] =	ssyncset.done $0x0  }
0x5c: {  	s0 =	sadd.s32 $0x280, s24;
	[sflag:s28] =	ssyncadd.s32 $0xFFFFF000  }
0x5d: {  	[tilespmem:s23], [sflag:$0x2] =	stream.indirect.gather [spmem:s3], $0x20, s0, s21, $0xb8;
	[tilespmem:$0x13000] =	vst v63  }
0x5e: {  	_ =	swait.ge [sflag:s19], $0x1000  }
0x5f: {  	[sflag:s19] =	ssyncset.done $0x0  }
0x60: {  	s0 =	sadd.s32 $0x2900, s24;
	[sflag:s19] =	ssyncadd.s32 $0xFFFFF000  }
0x61: {  	[spmem:s2] =	stream.indirect.scatter.add.f32 [tilespmem:s25], [sflag:$0x5], $0x20, s0, s21, $0xb8;
	[tilespmem:$0x13000] =	vst v63  }
0x62: {  	_ =	swait.ge [sflag:s28], $0x1000  }
0x63: {  	[sflag:s28] =	ssyncset.done $0x0  }
0x64: {  	s0 =	sadd.s32 $0x300, s24;
	[sflag:s28] =	ssyncadd.s32 $0xFFFFF000  }
0x65: {  	[tilespmem:s25], [sflag:$0x3] =	stream.indirect.gather [spmem:s3], $0x20, s0, s21, $0xb8;
	[tilespmem:$0x13000] =	vst v63  }
0x66: {  	_ =	swait.ge [sflag:s20], $0x1000  }
.Ltmp0:
0x67: {  	[sflag:s20] =	ssyncset.done $0x0;
	(pc) =	sbr.rel @p0 .LBB2_2-.Ltmp0, $4  }
0x68: {  	s0 =	sadd.s32 $0x2980, s24;
	[sflag:s20] =	ssyncadd.s32 $0xFFFFF000  }
0x69: {  	[spmem:s2] =	stream.indirect.scatter.add.f32 [tilespmem:s26], [sflag:$0x5], $0x20, s0, s21, $0xb8;
	[tilespmem:$0x13000] =	vst v63  }
0x6a: {  	_ =	swait.ge [sflag:s28], $0x1000  }
0x6b: {  	s29 =	smov.u32 s31;
	s24 =	sshra.s32 s30, $0x2;
	[sflag:s28] =	ssyncset.done $0x0  }
0x6c: {  	s0 =	sadd.s32 $0x180, s24;
	[sflag:s28] =	ssyncadd.s32 $0xFFFFF000  }
0x6d: {  	[tilespmem:s26], [sflag:$0x4] =	stream.indirect.gather [spmem:s3], $0x20, s0, s21, $0xb8;
	[tilespmem:$0x13000] =	vst v63  }
0x6e: {  	_ =	swait.ge [sflag:s17], $0x1000  }
0x6f: {  	[sflag:s17] =	ssyncset.done $0x0  }
0x70: {  	s30 =	sadd.s32 $0x2800, s24;
	[sflag:s17] =	ssyncadd.s32 $0xFFFFF000  }
0x71: {  	[spmem:s2] =	stream.indirect.scatter.add.f32 [tilespmem:s22], [sflag:$0x5], $0x20, s30, s21, $0xb8;
	[tilespmem:$0x13000] =	vst v63  }
0x72: {  	_ =	swait.ge [sflag:s28], $0x1000  }
0x73: {  	[sflag:s28] =	ssyncset.done $0x0  }
0x74: {  	s31 =	sadd.s32 $0x200, s24;
	[sflag:s28] =	ssyncadd.s32 $0xFFFFF000  }
0x75: {  	[tilespmem:s22], [sflag:$0x1] =	stream.indirect.gather [spmem:s3], $0x20, s31, s21, $0xb8;
	[tilespmem:$0x13000] =	vst v63  }
0x76: {  	_ =	swait.ge [sflag:s18], $0x1000  }
0x77: {  	[sflag:s18] =	ssyncset.done $0x0  }
0x78: {  	s29 =	sadd.s32 $0x2880, s24;
	[sflag:s18] =	ssyncadd.s32 $0xFFFFF000  }
0x79: {  	[spmem:s2] =	stream.indirect.scatter.add.f32 [tilespmem:s23], [sflag:$0x5], $0x20, s29, s21, $0xb8;
	[tilespmem:$0x13000] =	vst v63  }
0x7a: {  	_ =	swait.ge [sflag:s28], $0x1000  }
0x7b: {  	[sflag:s28] =	ssyncset.done $0x0  }
0x7c: {  	s30 =	sadd.s32 $0x280, s24;
	[sflag:s28] =	ssyncadd.s32 $0xFFFFF000  }
0x7d: {  	[tilespmem:s23], [sflag:$0x2] =	stream.indirect.gather [spmem:s3], $0x20, s30, s21, $0xb8;
	[tilespmem:$0x13000] =	vst v63  }
0x7e: {  	_ =	swait.ge [sflag:s19], $0x1000  }
0x7f: {  	[sflag:s19] =	ssyncset.done $0x0  }
0x80: {  	s31 =	sadd.s32 $0x2900, s24;
	[sflag:s19] =	ssyncadd.s32 $0xFFFFF000  }
0x81: {  	[spmem:s2] =	stream.indirect.scatter.add.f32 [tilespmem:s25], [sflag:$0x5], $0x20, s31, s21, $0xb8;
	[tilespmem:$0x13000] =	vst v63  }
0x82: {  	_ =	swait.ge [sflag:s28], $0x1000  }
0x83: {  	[sflag:s28] =	ssyncset.done $0x0  }
0x84: {  	s29 =	sadd.s32 $0x300, s24;
	[sflag:s28] =	ssyncadd.s32 $0xFFFFF000  }
0x85: {  	[tilespmem:s25], [sflag:$0x3] =	stream.indirect.gather [spmem:s3], $0x20, s29, s21, $0xb8;
	[tilespmem:$0x13000] =	vst v63  }
0x86: {  	_ =	swait.ge [sflag:s20], $0x1000  }
0x87: {  	[sflag:s20] =	ssyncset.done $0x0  }
0x88: {  	s30 =	sadd.s32 $0x2980, s24;
	[sflag:s20] =	ssyncadd.s32 $0xFFFFF000  }
0x89: {  	[spmem:s2] =	stream.indirect.scatter.add.f32 [tilespmem:s26], [sflag:$0x5], $0x20, s30, s21, $0xb8;
	[tilespmem:$0x13000] =	vst v63  }
0x8a: {  	_ =	swait.ge [sflag:s28], $0x1000  }
0x8b: {  	[sflag:s28] =	ssyncset.done $0x0  }
0x8c: {  	s31 =	simm.s32 $0x2780;
	[sflag:s28] =	ssyncadd.s32 $0xFFFFF000  }
0x8d: {  	[tilespmem:s26], [sflag:$0x4] =	stream.indirect.gather [spmem:s3], $0x20, s31, s21, $0xb8;
	[tilespmem:$0x13000] =	vst v63  }
0x8e: {  	_ =	swait.ge [sflag:s17], $0x1000  }
0x8f: {  	[sflag:s17] =	ssyncset.done $0x0  }
0x90: {  	s24 =	simm.s32 $0x4E00;
	[sflag:s17] =	ssyncadd.s32 $0xFFFFF000  }
0x91: {  	[spmem:s2] =	stream.indirect.scatter.add.f32 [tilespmem:s22], [sflag:$0x5], $0x20, s24, s21, $0xb8;
	[tilespmem:$0x13000] =	vst v63  }
0x92: {  	_ =	swait.ge [sflag:s28], $0x1000  }
0x93: {  	[sflag:s28] =	ssyncset.done $0x0  }
0x94: {  	[sflag:s28] =	ssyncadd.s32 $0xFFFFF000  }
0x95: {  	_ =	swait.ge [sflag:s18], $0x1000  }
0x96: {  	[sflag:s18] =	ssyncset.done $0x0  }
0x97: {  	s29 =	simm.s32 $0x4E80;
	[sflag:s18] =	ssyncadd.s32 $0xFFFFF000  }
0x98: {  	[spmem:s2] =	stream.indirect.scatter.add.f32 [tilespmem:s23], [sflag:$0x5], $0x20, s29, s21, $0xb8;
	[tilespmem:$0x13000] =	vst v63  }
0x99: {  	_ =	swait.ge [sflag:s28], $0x1000  }
0x9a: {  	[sflag:s28] =	ssyncset.done $0x0  }
0x9b: {  	[sflag:s28] =	ssyncadd.s32 $0xFFFFF000  }
0x9c: {  	_ =	swait.ge [sflag:s19], $0x1000  }
0x9d: {  	[sflag:s19] =	ssyncset.done $0x0  }
0x9e: {  	s30 =	simm.s32 $0x4F00;
	[sflag:s19] =	ssyncadd.s32 $0xFFFFF000  }
0x9f: {  	[spmem:s2] =	stream.indirect.scatter.add.f32 [tilespmem:s25], [sflag:$0x5], $0x20, s30, s21, $0xb8;
	[tilespmem:$0x13000] =	vst v63  }
0xa0: {  	_ =	swait.ge [sflag:s28], $0x1000  }
0xa1: {  	[sflag:s28] =	ssyncset.done $0x0  }
0xa2: {  	[sflag:s28] =	ssyncadd.s32 $0xFFFFF000  }
0xa3: {  	_ =	swait.ge [sflag:s20], $0x1000  }
0xa4: {  	[sflag:s20] =	ssyncset.done $0x0  }
0xa5: {  	[sflag:s20] =	ssyncadd.s32 $0xFFFFF000  }
0xa6: {  	[spmem:s2] =	stream.indirect.scatter.add.f32 [tilespmem:s26], [sflag:$0x5], $0x20, s1, s21, $0xb8;
	[tilespmem:$0x13000] =	vst v63  }
0xa7: {  	_ =	swait.ge [sflag:s28], $0x1000  }
0xa8: {  	s13 =	sadd.s32 $0x1, s13;
	[sflag:s28] =	ssyncset.done $0x0  }
0xa9: {  	p0 =	sne.s32 s13, s12;
	[sflag:s28] =	ssyncadd.s32 $0xFFFFF000  }
.Ltmp1:
0xaa: {  	s31 =	sor.u32 $0x1C05, s7;
	[bflag:$0x0] =	sbarrier.arrive $0xFFFF;
	(pc) =	sbr.rel @p0 .LBB2_1-.Ltmp1, $4  }
0xab: {  	[hbm:s11], [sflag:s31] =	dma.local [spmem:s14], $0xA00  }
0xac: {  	_ =	swait.ge [sflag:s28], $0xA00  }
0xad: {  	[sflag:s28] =	ssyncset.done $0x0  }
0xae: {  	[sflag:s28] =	ssyncadd.s32 $0xFFFFF600  }
0xaf: {  	_ =	sfence.sel $0x180000  }
0xb0: {  	[bflag:$0x0] =	sbarrier.arrive $0xFFFF  }
0xb1: {  	_ =	strace $0x9000004A  }
0xb2: {  	s0 =	stileid.u32;
	[bflag:$0x2] =	sbarrier.arrive $0xFFFF  }
0xb3: {  	p0 =	sne.s32 s0, $0x0;
	s0 =	rddreg [dreg:$0x4]  }
0xb4: {  	s0 =	sadd.s32 @!p0 $0x100000, s0  }
0xb5: {  	[sflag:s0] =	ssyncadd.tile.s32 @!p0 $0x1;
	_ =	shalt  }
.Lfunc_end2:
_tile_overlayer_lowered:
.L_overlay_start_2:
0xb6: {  	(tag) =	ssettag $0x2  }
0xb7: {  	s0 =	rddreg [dreg:$0x0];
	s2 =	stileid.u32  }
0xb8: {  	s1 =	rddreg [dreg:$0x1];
	p0 =	sne.s32 s2, $0x0  }
0xb9: {  	s3 =	rddreg [dreg:$0x2];
	[bflag:$0x3] =	sbarrier.arrive $0xFFFF;
	s2 =	simm.s32 @!p0 $0x1C05  }
0xba: {  	[timem:s3], [sflag:s2] =	dma.local @!p0 [hbm:s0], s1  }
0xbb: {  	s0 =	simm.s32 @!p0 $0x5  }
0xbc: {  	_ =	swait.ge @!p0 [sflag:s0], s1  }
0xbd: {  	s1 =	ssub.s32 @!p0 $0x0, s1;
	[sflag:s0] =	ssyncset.done @!p0 $0x0  }
0xbe: {  	[sflag:s0] =	ssyncadd.s32 @!p0 s1  }
0xbf: {  	[bflag:$0x3] =	sbarrier.arrive $0xFFFF  }
0xc0: {  	_ =	shalt  }

// kernel: kernel.15.cloned.1.call-start
scs
__scs_entry_jumppad:
0x0: {  	(pc) =	sbr.rel $0x88, $3  }
0x1: {  	(tag) =	ssettag $0x0;
	lr =	simm.s32 $0x1  }
0x2: {  	[smem:$0x3F99] =	sst lr;
	_ =	strace $0xD0000000  }
0x3: {  	_ = 	snop  }
0x4: {  	_ = 	snop  }
0x5: {  	_ = 	snop  }
0x6: {  	_ = 	snop  }
0x7: {  	_ = 	snop  }
__scs_overlays_trampoline_lowered:
0x8: {  	[smem:$0x3FA8] =	sst s0  }
0x9: {  	[smem:$0x3FA9] =	sst s1  }
0xa: {  	[smem:$0x3FAA] =	sst s2  }
0xb: {  	[smem:$0x3FAB] =	sst s3  }
0xc: {  	[smem:$0x3FAC] =	sst s4  }
0xd: {  	[smem:$0x3FAD] =	sst s5  }
0xe: {  	[smem:$0x3FAE] =	sst s6  }
0xf: {  	[smem:$0x3FAF] =	sst s7  }
0x10: {  	[smem:$0x3FB0] =	sst s8  }
0x11: {  	[smem:$0x3FB1] =	sst s9;
	s0 =	simm.s32 @!p0 $0x0  }
0x12: {  	s1 =	sld [smem:$0x3F97];
	s0 =	simm.s32 @p0 $0x1  }
0x13: {  	[smem:$0x3FB2] =	sst s0;
	s0 =	simm.s32 @!p1 $0x0  }
0x14: {  	s2 =	sld [smem:$0x3F96];
	s0 =	simm.s32 @p1 $0x1  }
0x15: {  	[smem:$0x3FB3] =	sst s0;
	s0 =	simm.s32 @!p2 $0x0  }
0x16: {  	s3 =	sld [smem:$0x3FDB];
	s0 =	simm.s32 @p2 $0x1  }
0x17: {  	s4 =	simm.s32 $0x1BF5;
	[smem:$0x3FB5] =	sst s0  }
0x18: {  	s0 =	sld [smem:$0x3F98];
	_ =	swait.ge [sflag:s4], $0x0  }
0x19: {  	s7 =	sld [smem:$0x3F99]  }
0x1a: {  	s8 =	sadd.s32 $0xFFFFE003, lr  }
0x1b: {  	s9 =	sadd.s32 $0xFFFFFEF7, lr;
	s5 =	simm.s32 $0xFFFFFFFF;
	p2 =	slt.u32 s8, $0xFFFFF086  }
0x1c: {  	p1 =	slt.u32 s9, $0xF7A;
	s5 =	simm.s32 @!p2 $0x0  }
0x1d: {  	s5 =	simm.s32 @p1 $0x1;
	p0 =	seq.s32 s7, s2  }
0x1e: {  	s7 =	smul.u32 @!p0 $0xF7A, s2;
	p2 =	seq.s32 @!p0 s5, $0x0  }
0x1f: {  	s9 =	smul.u32 $0xF7A, s1;
	s8 =	simm.s32 @!p0 $0x1BF5;
	p2 =	por !p2, p0  }
0x20: {  	[sflag:s8] =	ssyncset.s32 @!p0 $0xFFFFF086;
	s6 =	sadd.s32 @!p0 s3, s7;
	s7 =	simm.s32 @!p0 $0x108  }
0x21: {  	s3 =	sadd.s32 s3, s9;
	s6 =	sadd.s32 @!p0 $0x88, s6;
	s7 =	simm.s32 @p2 $0x1082  }
0x22: {  	[simem:s7], [sflag:s8] =	dma.local @!p0 [hbm:s6], $0xF7A  }
0x23: {  	s9 =	sor.u32 $0xD0000000, s2;
	s6 =	simm.s32 $0x108;
	_ =	swait.ge @!p0 [sflag:s8], $0x0  }
0x24: {  	s3 =	sadd.s32 $0x88, s3;
	s6 =	simm.s32 @!p1 $0x1082;
	[sflag:s4] =	ssyncset.s32 $0xFFFFF086  }
0x25: {  	[simem:s6], [sflag:s4] =	dma.local [hbm:s3], $0xF7A  }
0x26: {  	[smem:$0x3F99] =	sst s1;
	(tag) =	ssettag s2;
	_ =	strace s9  }
0x27: {  	s1 =	sld [smem:$0x3FA9]  }
0x28: {  	s2 =	sld [smem:$0x3FAA]  }
0x29: {  	s4 =	sld [smem:$0x3FAC]  }
0x2a: {  	p0 =	seq.s32 s5, $0x0;
	s5 =	sld [smem:$0x3FAD]  }
0x2b: {  	s6 =	sld [smem:$0x3FAE]  }
0x2c: {  	s7 =	sld [smem:$0x3FAF]  }
0x2d: {  	s3 =	simm.s32 $0x108;
	s8 =	sld [smem:$0x3FB0]  }
0x2e: {  	s3 =	simm.s32 @!p0 $0x1082;
	s9 =	sld [smem:$0x3FB1]  }
0x2f: {  	lr =	sadd.s32 s0, s3;
	s0 =	sld [smem:$0x3FA8]  }
0x30: {  	s3 =	sld [smem:$0x3FAB]  }
0x31: {  	[smem:$0x3FB4] =	sst s10  }
0x32: {  	s10 =	sld [smem:$0x3FB2];
	_ =	sdelay $0x3  }
0x33: {  	p0 =	seq.s32 s10, $0x1;
	s10 =	sld [smem:$0x3FB4];
	_ =	sdelay $0x3  }
0x34: {  	[smem:$0x3FB4] =	sst s10  }
0x35: {  	s10 =	sld [smem:$0x3FB3];
	_ =	sdelay $0x3  }
0x36: {  	p1 =	seq.s32 s10, $0x1;
	s10 =	sld [smem:$0x3FB4];
	_ =	sdelay $0x3  }
0x37: {  	[smem:$0x3FB4] =	sst s10  }
0x38: {  	s10 =	sld [smem:$0x3FB5]  }
0x39: {  	_ = 	snop;
	(pc) =	sbr.ind lr, $3  }
0x3a: {  	_ = 	snop  }
0x3b: {  	_ = 	snop  }
0x3c: {  	p2 =	seq.s32 s10, $0x1;
	s10 =	sld [smem:$0x3FB4]  }
0x3d: {  	_ =	shalt  }
0x3e: {  	_ =	shalt  }
0x3f: {  	_ =	shalt  }
0x40: {  	_ =	shalt  }
0x41: {  	_ =	shalt  }
0x42: {  	_ =	shalt  }
0x43: {  	_ =	shalt  }
0x44: {  	_ =	shalt  }
0x45: {  	_ =	shalt  }
0x46: {  	_ =	shalt  }
0x47: {  	_ =	shalt  }
0x48: {  	_ =	shalt  }
0x49: {  	_ =	shalt  }
0x4a: {  	_ =	shalt  }
0x4b: {  	_ =	shalt  }
0x4c: {  	_ =	shalt  }
0x4d: {  	_ =	shalt  }
0x4e: {  	_ =	shalt  }
0x4f: {  	_ =	shalt  }
0x50: {  	_ =	shalt  }
0x51: {  	_ =	shalt  }
0x52: {  	_ =	shalt  }
0x53: {  	_ =	shalt  }
0x54: {  	_ =	shalt  }
0x55: {  	_ =	shalt  }
0x56: {  	_ =	shalt  }
0x57: {  	_ =	shalt  }
0x58: {  	_ =	shalt  }
0x59: {  	_ =	shalt  }
0x5a: {  	_ =	shalt  }
0x5b: {  	_ =	shalt  }
0x5c: {  	_ =	shalt  }
0x5d: {  	_ =	shalt  }
0x5e: {  	_ =	shalt  }
0x5f: {  	_ =	shalt  }
0x60: {  	_ =	shalt  }
0x61: {  	_ =	shalt  }
0x62: {  	_ =	shalt  }
0x63: {  	_ =	shalt  }
0x64: {  	_ =	shalt  }
0x65: {  	_ =	shalt  }
0x66: {  	_ =	shalt  }
0x67: {  	_ =	shalt  }
0x68: {  	_ =	shalt  }
0x69: {  	_ =	shalt  }
0x6a: {  	_ =	shalt  }
0x6b: {  	_ =	shalt  }
0x6c: {  	_ =	shalt  }
0x6d: {  	_ =	shalt  }
0x6e: {  	_ =	shalt  }
0x6f: {  	_ =	shalt  }
0x70: {  	_ =	shalt  }
0x71: {  	_ =	shalt  }
0x72: {  	_ =	shalt  }
0x73: {  	_ =	shalt  }
0x74: {  	_ =	shalt  }
0x75: {  	_ =	shalt  }
0x76: {  	_ =	shalt  }
0x77: {  	_ =	shalt  }
0x78: {  	_ =	shalt  }
0x79: {  	_ =	shalt  }
0x7a: {  	_ =	shalt  }
0x7b: {  	_ =	shalt  }
0x7c: {  	_ =	shalt  }
0x7d: {  	_ =	shalt  }
0x7e: {  	_ =	shalt  }
0x7f: {  	_ =	shalt  }
0x80: {  	_ =	shalt  }
0x81: {  	_ =	shalt  }
0x82: {  	_ =	shalt  }
0x83: {  	_ =	shalt  }
0x84: {  	_ =	shalt  }
0x85: {  	_ =	shalt  }
0x86: {  	_ =	shalt  }
0x87: {  	_ =	shalt  }
.Lfunc_end0:
.L_simem_size_0:
called_computation.2_lowered:
.L_overlay_start_0:
0x88: {  	s2 =	sld [smem:$0x3FD9]  }
0x89: {  	s3 =	sld [smem:$0x3FFE];
	_ =	sdelay $0x1  }
0x8a: {  	s1 =	srdreg.scid  }
0x8b: {  	s0 =	sand.u32 $0x1, s1  }
0x8c: {  	s17 =	sshll.u32 s0, $0xA;
	s2 =	sadd.s32 s3, s2  }
0x8d: {  	s2 =	sadd.s32 s2, s17  }
0x8e: {  	[smem:$0x3FC0] =	sst s2  }
0x8f: {  	_ = 	snop  }
0x90: {  	s2 =	sld [smem:$0x3FD0];
	(tm) =	ssettm $0x1  }
0x91: {  	s18 =	sld [smem:$0x3FFB];
	_ =	sdelay $0x3  }
0x92: {  	_ =	strace s18  }
0x93: {  	s3 =	sld [smem:$0x3FFC];
	_ =	sdelay $0x3  }
0x94: {  	_ =	strace s3  }
0x95: {  	s3 =	sld [smem:$0x3FFD];
	_ =	sdelay $0x3  }
0x96: {  	_ =	strace s3  }
0x97: {  	_ =	strace $0x8FFFFFFF  }
0x98: {  	s19 =	sld [smem:$0x3FDB];
	_ =	sdelay $0x1  }
0x99: {  	s4 =	simm.s32 $_scs_section_size  }
0x9a: {  	s5 =	simm.s32 $_size__tile_overlayer_lowered;
	s6 =	simm.s32 $_tile_overlayer_lowered  }
0x9b: {  	s22 =	simm.s32 $0x1BFF;
	s21 =	sshll.u32 s6, $0x1;
	s3 =	sadd.s32 s4, s19  }
0x9c: {  	s7 =	simm.s32 $0x0;
	s20 =	sshll.u32 s5, $0x1;
	s5 =	sadd.s32 s21, s3  }
0x9d: {  	[timem:s7], [sflag:s22] =	dma.local [hbm:s5], s20  }
0x9e: {  	_ =	swait.ge [sflag:s22], s20  }
0x9f: {  	s4 =	ssub.s32 $0x0, s20;
	[sflag:s22] =	ssyncset.done $0x0  }
0xa0: {  	[sflag:s22] =	ssyncadd.s32 s4;
	_ =	sdelay $0x1  }
0xa1: {  	s23 =	simm.s32 $0x1B8B  }
0xa2: {  	_ =	swait.ge [sflag:s23], $0x1  }
0xa3: {  	[sflag:s23] =	ssyncset.done $0x0  }
0xa4: {  	s25 =	simm.s32 $0x1B8E;
	s24 =	sld [smem:$0x3FFE];
	[sflag:s23] =	ssyncadd.s32 $0xFFFFFFFF  }
0xa5: {  	s26 =	simm.s32 $execute0_lowered;
	[smem:$0x3FD2] =	sst s25  }
0xa6: {  	s5 =	sshll.u32 s26, $0x1;
	_ =	strace $0x8000004C;
	[dreg:$0x1] =	wrdreg $0xFFFFFFFF  }
0xa7: {  	s28 =	simm.s32 $_size_execute0_lowered;
	s3 =	sadd.s32 s3, s5;
	[dreg:$0x0] =	wrdreg $0x0  }
0xa8: {  	s5 =	sshll.u32 s28, $0x1;
	[dreg:$0x2] =	wrdreg s3  }
0xa9: {  	[dreg:$0x3] =	wrdreg s5  }
0xaa: {  	[dreg:$0x4] =	wrdreg $0xC0  }
0xab: {  	_ =	task [dreg:s7], $0x5FFFF  }
0xac: {  	[dreg:$0x1] =	wrdreg $0xFFFFFFFF  }
0xad: {  	[dreg:$0x0] =	wrdreg $0x60  }
0xae: {  	[dreg:$0x2] =	wrdreg s24  }
0xaf: {  	[dreg:$0x3] =	wrdreg s2  }
0xb0: {  	[dreg:$0x4] =	wrdreg $0x90000  }
0xb1: {  	[dreg:$0x5] =	wrdreg $0xE0000  }
0xb2: {  	[dreg:$0x6] =	wrdreg $0x9  }
0xb3: {  	_ =	task.clear_ibuf [dreg:s7], $0x7FFFF;
	_ =	strace $0x9000004C  }
0xb4: {  	s29 =	simm.s32 $0x9;
	_ =	strace $0x8000004E  }
0xb5: {  	_ =	swait.ge [sflag:s29], $0x1  }
0xb6: {  	[sflag:s29] =	ssyncadd.s32 $0xFFFFFFFF  }
0xb7: {  	_ =	strace $0x9000004E  }
0xb8: {  	_ =	sfence  }
0xb9: {  	s30 =	sld [smem:$0x0];
	_ =	sdelay $0x2  }
0xba: {  	s31 =	sshll.u32 s1, $0xD;
	s1 =	sshrl.u32 s1, $0x2  }
0xbb: {  	s3 =	sand.u32 $0x4000, s31;
	s1 =	sadd.s32 s1, s30  }
0xbc: {  	s0 =	sor.u32 s3, s0;
	s1 =	sshll.u32 s1, $0x11  }
0xbd: {  	s0 =	sor.u32 s1, s0  }
0xbe: {  	s0 =	sadd.s32 $0x8F2B, s0  }
0xbf: {  	[sflag:s0] =	ssyncadd.remote.s32 $0x1  }
0xc0: {  	_ =	sfence.sel $0xFFFF  }
0xc1: {  	[dreg:$0x0] =	wrdreg $0xFFFFFFFF;
	(pc) =	sbr.abs _section_cstart, $3  }
0xc2: {  	[dreg:$0x1] =	wrdreg $0xFFFFFFFF  }
0xc3: {  	_ =	task.clear_ibuf [dreg:s7], $0x2FFFF;
	_ =	strace $0x9FFFFFFF  }
0xc4: {  	(tm) =	ssettm $0x7FFFFFFF  }
0xc5: {  	_ =	shalt  }
tec
execute0_lowered:
.L_overlay_start_1:
0x0: {  	(tag) =	ssettag $0x1  }
0x1: {  	s0 =	rddreg [dreg:$0x0]  }
0x2: {  	s1 =	rddreg [dreg:$0x1]  }
0x3: {  	s2 =	rddreg [dreg:$0x2]  }
0x4: {  	s3 =	rddreg [dreg:$0x3]  }
0x5: {  	s4 =	srdreg.scid;
	s13 =	stileid.u32;
	s17 =	simm.s32 $0x1  }
0x6: {  	s18 =	simm.s32 $0x2;
	s19 =	simm.s32 $0x3;
	s20 =	simm.s32 $0x4  }
0x7: {  	s21 =	simm.s32 $0x80;
	s22 =	simm.s32 $0x5000;
	s23 =	simm.s32 $0x6000  }
0x8: {  	s25 =	simm.s32 $0x7000;
	s26 =	simm.s32 $0x8000;
	s28 =	simm.s32 $0x5  }
0x9: {  	s5 =	sand.u32 $0x1, s4;
	s4 =	simm.s32 $0x0;
	s10 =	smul.u32 $0x5000, s13  }
0xa: {  	s6 =	sshll.u32 s5, $0x4;
	[smem:$0x7FF] =	sst s4;
	s7 =	smul.u32 $0x50000, s5  }
0xb: {  	s5 =	ssub.s32 $0x2, s5;
	s6 =	sor.u32 s13, s6;
	_ =	strace $0x8000004D  }
0xc: {  	s8 =	sshrl.u32 s10, $0x3;
	s9 =	sshrl.u32 s5, $0x1;
	s30 =	sadd.s32 s10, s2  }
0xd: {  	s31 =	sadd.s32 s10, s3;
	s6 =	smul.u32 $0x500, s6;
	s11 =	sadd.s32 s8, s0  }
0xe: {  	s7 =	sadd.s32 s10, s7;
	s12 =	ssub.s32 s5, s9;
	s14 =	sshrl.u32 s30, $0x3  }
0xf: {  	s16 =	sshrl.u32 s31, $0x3;
	s7 =	sshrl.u32 s7, $0x3;
	s8 =	sadd.s32 $0x1B000, s11  }
0x10: {  	s10 =	sadd.s32 $0x1E00, s11;
	s12 =	smax.u32 s12, $0x1;
	s29 =	sadd.s32 s6, s0  }
0x11: {  	s0 =	sadd.s32 s7, s0;
	s5 =	sadd.s32 s1, s6;
	s7 =	sshll.u32 s13, $0x6  }
0x12: {  	s1 =	simm.s32 $0x4F80;
	s13 =	simm.s32 $0x0;
	s6 =	sadd.s32 $0x11000, s29  }
0x13: {  	s9 =	sor.u32 $0x1C03, s7;
	s11 =	sadd.s32 $0x25000, s0;
	s15 =	sor.u32 $0x1C04, s7  }
.LBB2_1:
0x14: {  	[tilespmem:s4], [sflag:$0x1] =	stream.linear.gather [hbm4b:s5+s4], $0x2800, $0x38;
	[tilespmem:$0x13000] =	vst v63  }
0x15: {  	s0 =	simm.s32 $0x2800  }
0x16: {  	[tilespmem:s0], [sflag:$0x2] =	stream.linear.gather [hbm4b:s6+s4], $0x2800, $0x38;
	[tilespmem:$0x13000] =	vst v63  }
0x17: {  	[spmem:s14], [sflag:s9] =	dma.local [hbm:s8], $0xA00  }
0x18: {  	[spmem:s16], [sflag:s15] =	dma.local [hbm:s10], $0xA00  }
0x19: {  	_ =	swait.ge [sflag:s17], $0x2800  }
0x1a: {  	[sflag:s17] =	ssyncset.done $0x0  }
0x1b: {  	[sflag:s17] =	ssyncadd.s32 $0xFFFFD800  }
0x1c: {  	_ =	swait.ge [sflag:s18], $0x2800  }
0x1d: {  	[sflag:s18] =	ssyncset.done $0x0  }
0x1e: {  	[sflag:s18] =	ssyncadd.s32 $0xFFFFD800  }
0x1f: {  	_ =	swait.ge [sflag:s19], $0xA00  }
0x20: {  	[sflag:s19] =	ssyncset.done $0x0  }
0x21: {  	[sflag:s19] =	ssyncadd.s32 $0xFFFFF600  }
0x22: {  	_ =	swait.ge [sflag:s20], $0xA00  }
0x23: {  	[sflag:s20] =	ssyncset.done $0x0  }
0x24: {  	[sflag:s20] =	ssyncadd.s32 $0xFFFFF600  }
0x25: {  	[bflag:$0x0] =	sbarrier.arrive $0xFFFF  }
0x26: {  	[tilespmem:s22], [sflag:$0x1] =	stream.indirect.gather [spmem:s3], $0x20, s4, s21, $0xb8;
	[tilespmem:$0x13000] =	vst v63  }
0x27: {  	_ = 	snop  }
0x28: {  	[tilespmem:s23], [sflag:$0x2] =	stream.indirect.gather [spmem:s3], $0x20, s21, s21, $0xb8;
	[tilespmem:$0x13000] =	vst v63  }
0x29: {  	s30 =	simm.s32 $0x100  }
0x2a: {  	[tilespmem:s25], [sflag:$0x3] =	stream.indirect.gather [spmem:s3], $0x20, s30, s21, $0xb8;
	[tilespmem:$0x13000] =	vst v63  }
0x2b: {  	s24 =	simm.s32 $0x180  }
0x2c: {  	[tilespmem:s26], [sflag:$0x4] =	stream.indirect.gather [spmem:s3], $0x20, s24, s21, $0xb8;
	[tilespmem:$0x13000] =	vst v63  }
0x2d: {  	_ =	swait.ge [sflag:s17], $0x1000  }
0x2e: {  	[sflag:s17] =	ssyncset.done $0x0  }
0x2f: {  	s31 =	simm.s32 $0x2800;
	[sflag:s17] =	ssyncadd.s32 $0xFFFFF000  }
0x30: {  	[spmem:s2] =	stream.indirect.scatter.add.f32 [tilespmem:s22], [sflag:$0x5], $0x20, s31, s21, $0xb8;
	[tilespmem:$0x13000] =	vst v63  }
0x31: {  	_ =	swait.ge [sflag:s28], $0x1000  }
0x32: {  	[sflag:s28] =	ssyncset.done $0x0  }
0x33: {  	s0 =	simm.s32 $0x200;
	[sflag:s28] =	ssyncadd.s32 $0xFFFFF000  }
0x34: {  	[tilespmem:s22], [sflag:$0x1] =	stream.indirect.gather [spmem:s3], $0x20, s0, s21, $0xb8;
	[tilespmem:$0x13000] =	vst v63  }
0x35: {  	_ =	swait.ge [sflag:s18], $0x1000  }
0x36: {  	[sflag:s18] =	ssyncset.done $0x0  }
0x37: {  	s30 =	simm.s32 $0x2880;
	[sflag:s18] =	ssyncadd.s32 $0xFFFFF000  }
0x38: {  	[spmem:s2] =	stream.indirect.scatter.add.f32 [tilespmem:s23], [sflag:$0x5], $0x20, s30, s21, $0xb8;
	[tilespmem:$0x13000] =	vst v63  }
0x39: {  	_ =	swait.ge [sflag:s28], $0x1000  }
0x3a: {  	[sflag:s28] =	ssyncset.done $0x0  }
0x3b: {  	s31 =	simm.s32 $0x280;
	[sflag:s28] =	ssyncadd.s32 $0xFFFFF000  }
0x3c: {  	[tilespmem:s23], [sflag:$0x2] =	stream.indirect.gather [spmem:s3], $0x20, s31, s21, $0xb8;
	[tilespmem:$0x13000] =	vst v63  }
0x3d: {  	_ =	swait.ge [sflag:s19], $0x1000  }
0x3e: {  	[sflag:s19] =	ssyncset.done $0x0  }
0x3f: {  	s0 =	simm.s32 $0x2900;
	[sflag:s19] =	ssyncadd.s32 $0xFFFFF000  }
0x40: {  	[spmem:s2] =	stream.indirect.scatter.add.f32 [tilespmem:s25], [sflag:$0x5], $0x20, s0, s21, $0xb8;
	[tilespmem:$0x13000] =	vst v63  }
0x41: {  	_ =	swait.ge [sflag:s28], $0x1000  }
0x42: {  	[sflag:s28] =	ssyncset.done $0x0  }
0x43: {  	s30 =	simm.s32 $0x300;
	[sflag:s28] =	ssyncadd.s32 $0xFFFFF000  }
0x44: {  	[tilespmem:s25], [sflag:$0x3] =	stream.indirect.gather [spmem:s3], $0x20, s30, s21, $0xb8;
	[tilespmem:$0x13000] =	vst v63  }
0x45: {  	_ =	swait.ge [sflag:s20], $0x1000  }
0x46: {  	[sflag:s20] =	ssyncset.done $0x0  }
0x47: {  	s31 =	simm.s32 $0x2980;
	[sflag:s20] =	ssyncadd.s32 $0xFFFFF000  }
0x48: {  	[spmem:s2] =	stream.indirect.scatter.add.f32 [tilespmem:s26], [sflag:$0x5], $0x20, s31, s21, $0xb8;
	[tilespmem:$0x13000] =	vst v63  }
0x49: {  	_ =	swait.ge [sflag:s28], $0x1000  }
0x4a: {  	s29 =	simm.s32 $0x1000;
	s24 =	simm.s32 $0x200;
	[sflag:s28] =	ssyncset.done $0x0  }
.LBB2_2:
0x4b: {  	s0 =	sadd.s32 $0x180, s24  }
0x4c: {  	[sflag:s28] =	ssyncadd.s32 $0xFFFFF000;
	s30 =	smov.u32 s29;
	s31 =	sadd.s32 $0x800, s29  }
0x4d: {  	[tilespmem:s26], [sflag:$0x4] =	stream.indirect.gather [spmem:s3], $0x20, s0, s21, $0xb8;
	[tilespmem:$0x13000] =	vst v63  }
0x4e: {  	p0 =	sne.s32 s29, $0x9000;
	_ =	swait.ge [sflag:s17], $0x1000  }
0x4f: {  	[sflag:s17] =	ssyncset.done $0x0  }
0x50: {  	s0 =	sadd.s32 $0x2800, s24;
	[sflag:s17] =	ssyncadd.s32 $0xFFFFF000  }
0x51: {  	[spmem:s2] =	stream.indirect.scatter.add.f32 [tilespmem:s22], [sflag:$0x5], $0x20, s0, s21, $0xb8;
	[tilespmem:$0x13000] =	vst v63  }
0x52: {  	_ =	swait.ge [sflag:s28], $0x1000  }
0x53: {  	[sflag:s28] =	ssyncset.done $0x0  }
0x54: {  	s0 =	sadd.s32 $0x200, s24;
	[sflag:s28] =	ssyncadd.s32 $0xFFFFF000  }
0x55: {  	[tilespmem:s22], [sflag:$0x1] =	stream.indirect.gather [spmem:s3], $0x20, s0, s21, $0xb8;
	[tilespmem:$0x13000] =	vst v63  }
0x56: {  	_ =	swait.ge [sflag:s18], $0x1000  }
0x57: {  	[sflag:s18] =	ssyncset.done $0x0  }
0x58: {  	s0 =	sadd.s32 $0x2880, s24;
	[sflag:s18] =	ssyncadd.s32 $0xFFFFF000  }
0x59: {  	[spmem:s2] =	stream.indirect.scatter.add.f32 [tilespmem:s23], [sflag:$0x5], $0x20, s0, s21, $0xb8;
	[tilespmem:$0x13000] =	vst v63  }
0x5a: {  	_ =	swait.ge [sflag:s28], $0x1000  }
0x5b: {  	[sflag:s28] =	ssyncset.done $0x0  }
0x5c: {  	s0 =	sadd.s32 $0x280, s24;
	[sflag:s28] =	ssyncadd.s32 $0xFFFFF000  }
0x5d: {  	[tilespmem:s23], [sflag:$0x2] =	stream.indirect.gather [spmem:s3], $0x20, s0, s21, $0xb8;
	[tilespmem:$0x13000] =	vst v63  }
0x5e: {  	_ =	swait.ge [sflag:s19], $0x1000  }
0x5f: {  	[sflag:s19] =	ssyncset.done $0x0  }
0x60: {  	s0 =	sadd.s32 $0x2900, s24;
	[sflag:s19] =	ssyncadd.s32 $0xFFFFF000  }
0x61: {  	[spmem:s2] =	stream.indirect.scatter.add.f32 [tilespmem:s25], [sflag:$0x5], $0x20, s0, s21, $0xb8;
	[tilespmem:$0x13000] =	vst v63  }
0x62: {  	_ =	swait.ge [sflag:s28], $0x1000  }
0x63: {  	[sflag:s28] =	ssyncset.done $0x0  }
0x64: {  	s0 =	sadd.s32 $0x300, s24;
	[sflag:s28] =	ssyncadd.s32 $0xFFFFF000  }
0x65: {  	[tilespmem:s25], [sflag:$0x3] =	stream.indirect.gather [spmem:s3], $0x20, s0, s21, $0xb8;
	[tilespmem:$0x13000] =	vst v63  }
0x66: {  	_ =	swait.ge [sflag:s20], $0x1000  }
.Ltmp0:
0x67: {  	[sflag:s20] =	ssyncset.done $0x0;
	(pc) =	sbr.rel @p0 .LBB2_2-.Ltmp0, $4  }
0x68: {  	s0 =	sadd.s32 $0x2980, s24;
	[sflag:s20] =	ssyncadd.s32 $0xFFFFF000  }
0x69: {  	[spmem:s2] =	stream.indirect.scatter.add.f32 [tilespmem:s26], [sflag:$0x5], $0x20, s0, s21, $0xb8;
	[tilespmem:$0x13000] =	vst v63  }
0x6a: {  	_ =	swait.ge [sflag:s28], $0x1000  }
0x6b: {  	s29 =	smov.u32 s31;
	s24 =	sshra.s32 s30, $0x2;
	[sflag:s28] =	ssyncset.done $0x0  }
0x6c: {  	s0 =	sadd.s32 $0x180, s24;
	[sflag:s28] =	ssyncadd.s32 $0xFFFFF000  }
0x6d: {  	[tilespmem:s26], [sflag:$0x4] =	stream.indirect.gather [spmem:s3], $0x20, s0, s21, $0xb8;
	[tilespmem:$0x13000] =	vst v63  }
0x6e: {  	_ =	swait.ge [sflag:s17], $0x1000  }
0x6f: {  	[sflag:s17] =	ssyncset.done $0x0  }
0x70: {  	s30 =	sadd.s32 $0x2800, s24;
	[sflag:s17] =	ssyncadd.s32 $0xFFFFF000  }
0x71: {  	[spmem:s2] =	stream.indirect.scatter.add.f32 [tilespmem:s22], [sflag:$0x5], $0x20, s30, s21, $0xb8;
	[tilespmem:$0x13000] =	vst v63  }
0x72: {  	_ =	swait.ge [sflag:s28], $0x1000  }
0x73: {  	[sflag:s28] =	ssyncset.done $0x0  }
0x74: {  	s31 =	sadd.s32 $0x200, s24;
	[sflag:s28] =	ssyncadd.s32 $0xFFFFF000  }
0x75: {  	[tilespmem:s22], [sflag:$0x1] =	stream.indirect.gather [spmem:s3], $0x20, s31, s21, $0xb8;
	[tilespmem:$0x13000] =	vst v63  }
0x76: {  	_ =	swait.ge [sflag:s18], $0x1000  }
0x77: {  	[sflag:s18] =	ssyncset.done $0x0  }
0x78: {  	s29 =	sadd.s32 $0x2880, s24;
	[sflag:s18] =	ssyncadd.s32 $0xFFFFF000  }
0x79: {  	[spmem:s2] =	stream.indirect.scatter.add.f32 [tilespmem:s23], [sflag:$0x5], $0x20, s29, s21, $0xb8;
	[tilespmem:$0x13000] =	vst v63  }
0x7a: {  	_ =	swait.ge [sflag:s28], $0x1000  }
0x7b: {  	[sflag:s28] =	ssyncset.done $0x0  }
0x7c: {  	s30 =	sadd.s32 $0x280, s24;
	[sflag:s28] =	ssyncadd.s32 $0xFFFFF000  }
0x7d: {  	[tilespmem:s23], [sflag:$0x2] =	stream.indirect.gather [spmem:s3], $0x20, s30, s21, $0xb8;
	[tilespmem:$0x13000] =	vst v63  }
0x7e: {  	_ =	swait.ge [sflag:s19], $0x1000  }
0x7f: {  	[sflag:s19] =	ssyncset.done $0x0  }
0x80: {  	s31 =	sadd.s32 $0x2900, s24;
	[sflag:s19] =	ssyncadd.s32 $0xFFFFF000  }
0x81: {  	[spmem:s2] =	stream.indirect.scatter.add.f32 [tilespmem:s25], [sflag:$0x5], $0x20, s31, s21, $0xb8;
	[tilespmem:$0x13000] =	vst v63  }
0x82: {  	_ =	swait.ge [sflag:s28], $0x1000  }
0x83: {  	[sflag:s28] =	ssyncset.done $0x0  }
0x84: {  	s29 =	sadd.s32 $0x300, s24;
	[sflag:s28] =	ssyncadd.s32 $0xFFFFF000  }
0x85: {  	[tilespmem:s25], [sflag:$0x3] =	stream.indirect.gather [spmem:s3], $0x20, s29, s21, $0xb8;
	[tilespmem:$0x13000] =	vst v63  }
0x86: {  	_ =	swait.ge [sflag:s20], $0x1000  }
0x87: {  	[sflag:s20] =	ssyncset.done $0x0  }
0x88: {  	s30 =	sadd.s32 $0x2980, s24;
	[sflag:s20] =	ssyncadd.s32 $0xFFFFF000  }
0x89: {  	[spmem:s2] =	stream.indirect.scatter.add.f32 [tilespmem:s26], [sflag:$0x5], $0x20, s30, s21, $0xb8;
	[tilespmem:$0x13000] =	vst v63  }
0x8a: {  	_ =	swait.ge [sflag:s28], $0x1000  }
0x8b: {  	[sflag:s28] =	ssyncset.done $0x0  }
0x8c: {  	s31 =	simm.s32 $0x2780;
	[sflag:s28] =	ssyncadd.s32 $0xFFFFF000  }
0x8d: {  	[tilespmem:s26], [sflag:$0x4] =	stream.indirect.gather [spmem:s3], $0x20, s31, s21, $0xb8;
	[tilespmem:$0x13000] =	vst v63  }
0x8e: {  	_ =	swait.ge [sflag:s17], $0x1000  }
0x8f: {  	[sflag:s17] =	ssyncset.done $0x0  }
0x90: {  	s24 =	simm.s32 $0x4E00;
	[sflag:s17] =	ssyncadd.s32 $0xFFFFF000  }
0x91: {  	[spmem:s2] =	stream.indirect.scatter.add.f32 [tilespmem:s22], [sflag:$0x5], $0x20, s24, s21, $0xb8;
	[tilespmem:$0x13000] =	vst v63  }
0x92: {  	_ =	swait.ge [sflag:s28], $0x1000  }
0x93: {  	[sflag:s28] =	ssyncset.done $0x0  }
0x94: {  	[sflag:s28] =	ssyncadd.s32 $0xFFFFF000  }
0x95: {  	_ =	swait.ge [sflag:s18], $0x1000  }
0x96: {  	[sflag:s18] =	ssyncset.done $0x0  }
0x97: {  	s29 =	simm.s32 $0x4E80;
	[sflag:s18] =	ssyncadd.s32 $0xFFFFF000  }
0x98: {  	[spmem:s2] =	stream.indirect.scatter.add.f32 [tilespmem:s23], [sflag:$0x5], $0x20, s29, s21, $0xb8;
	[tilespmem:$0x13000] =	vst v63  }
0x99: {  	_ =	swait.ge [sflag:s28], $0x1000  }
0x9a: {  	[sflag:s28] =	ssyncset.done $0x0  }
0x9b: {  	[sflag:s28] =	ssyncadd.s32 $0xFFFFF000  }
0x9c: {  	_ =	swait.ge [sflag:s19], $0x1000  }
0x9d: {  	[sflag:s19] =	ssyncset.done $0x0  }
0x9e: {  	s30 =	simm.s32 $0x4F00;
	[sflag:s19] =	ssyncadd.s32 $0xFFFFF000  }
0x9f: {  	[spmem:s2] =	stream.indirect.scatter.add.f32 [tilespmem:s25], [sflag:$0x5], $0x20, s30, s21, $0xb8;
	[tilespmem:$0x13000] =	vst v63  }
0xa0: {  	_ =	swait.ge [sflag:s28], $0x1000  }
0xa1: {  	[sflag:s28] =	ssyncset.done $0x0  }
0xa2: {  	[sflag:s28] =	ssyncadd.s32 $0xFFFFF000  }
0xa3: {  	_ =	swait.ge [sflag:s20], $0x1000  }
0xa4: {  	[sflag:s20] =	ssyncset.done $0x0  }
0xa5: {  	[sflag:s20] =	ssyncadd.s32 $0xFFFFF000  }
0xa6: {  	[spmem:s2] =	stream.indirect.scatter.add.f32 [tilespmem:s26], [sflag:$0x5], $0x20, s1, s21, $0xb8;
	[tilespmem:$0x13000] =	vst v63  }
0xa7: {  	_ =	swait.ge [sflag:s28], $0x1000  }
0xa8: {  	s13 =	sadd.s32 $0x1, s13;
	[sflag:s28] =	ssyncset.done $0x0  }
0xa9: {  	p0 =	sne.s32 s13, s12;
	[sflag:s28] =	ssyncadd.s32 $0xFFFFF000  }
.Ltmp1:
0xaa: {  	s31 =	sor.u32 $0x1C05, s7;
	[bflag:$0x0] =	sbarrier.arrive $0xFFFF;
	(pc) =	sbr.rel @p0 .LBB2_1-.Ltmp1, $4  }
0xab: {  	[hbm:s11], [sflag:s31] =	dma.local [spmem:s14], $0xA00  }
0xac: {  	_ =	swait.ge [sflag:s28], $0xA00  }
0xad: {  	[sflag:s28] =	ssyncset.done $0x0  }
0xae: {  	[sflag:s28] =	ssyncadd.s32 $0xFFFFF600  }
0xaf: {  	_ =	sfence.sel $0x180000  }
0xb0: {  	[bflag:$0x0] =	sbarrier.arrive $0xFFFF  }
0xb1: {  	_ =	strace $0x9000004D  }
0xb2: {  	s0 =	stileid.u32;
	[bflag:$0x2] =	sbarrier.arrive $0xFFFF  }
0xb3: {  	p0 =	sne.s32 s0, $0x0;
	s0 =	rddreg [dreg:$0x4]  }
0xb4: {  	s0 =	sadd.s32 @!p0 $0x100000, s0  }
0xb5: {  	[sflag:s0] =	ssyncadd.tile.s32 @!p0 $0x1;
	_ =	shalt  }
.Lfunc_end2:
_tile_overlayer_lowered:
.L_overlay_start_2:
0xb6: {  	(tag) =	ssettag $0x2  }
0xb7: {  	s0 =	rddreg [dreg:$0x0];
	s2 =	stileid.u32  }
0xb8: {  	s1 =	rddreg [dreg:$0x1];
	p0 =	sne.s32 s2, $0x0  }
0xb9: {  	s3 =	rddreg [dreg:$0x2];
	[bflag:$0x3] =	sbarrier.arrive $0xFFFF;
	s2 =	simm.s32 @!p0 $0x1C05  }
0xba: {  	[timem:s3], [sflag:s2] =	dma.local @!p0 [hbm:s0], s1  }
0xbb: {  	s0 =	simm.s32 @!p0 $0x5  }
0xbc: {  	_ =	swait.ge @!p0 [sflag:s0], s1  }
0xbd: {  	s1 =	ssub.s32 @!p0 $0x0, s1;
	[sflag:s0] =	ssyncset.done @!p0 $0x0  }
0xbe: {  	[sflag:s0] =	ssyncadd.s32 @!p0 s1  }
0xbf: {  	[bflag:$0x3] =	sbarrier.arrive $0xFFFF  }
0xc0: {  	_ =	shalt  }

// kernel: kernel.9.cloned.1.call-start
scs
__scs_entry_jumppad:
0x0: {  	(pc) =	sbr.rel $0x88, $3  }
0x1: {  	(tag) =	ssettag $0x0;
	lr =	simm.s32 $0x1  }
0x2: {  	[smem:$0x3F99] =	sst lr;
	_ =	strace $0xD0000000  }
0x3: {  	_ = 	snop  }
0x4: {  	_ = 	snop  }
0x5: {  	_ = 	snop  }
0x6: {  	_ = 	snop  }
0x7: {  	_ = 	snop  }
__scs_overlays_trampoline_lowered:
0x8: {  	[smem:$0x3FA8] =	sst s0  }
0x9: {  	[smem:$0x3FA9] =	sst s1  }
0xa: {  	[smem:$0x3FAA] =	sst s2  }
0xb: {  	[smem:$0x3FAB] =	sst s3  }
0xc: {  	[smem:$0x3FAC] =	sst s4  }
0xd: {  	[smem:$0x3FAD] =	sst s5  }
0xe: {  	[smem:$0x3FAE] =	sst s6  }
0xf: {  	[smem:$0x3FAF] =	sst s7  }
0x10: {  	[smem:$0x3FB0] =	sst s8  }
0x11: {  	[smem:$0x3FB1] =	sst s9;
	s0 =	simm.s32 @!p0 $0x0  }
0x12: {  	s1 =	sld [smem:$0x3F97];
	s0 =	simm.s32 @p0 $0x1  }
0x13: {  	[smem:$0x3FB2] =	sst s0;
	s0 =	simm.s32 @!p1 $0x0  }
0x14: {  	s2 =	sld [smem:$0x3F96];
	s0 =	simm.s32 @p1 $0x1  }
0x15: {  	[smem:$0x3FB3] =	sst s0;
	s0 =	simm.s32 @!p2 $0x0  }
0x16: {  	s3 =	sld [smem:$0x3FDB];
	s0 =	simm.s32 @p2 $0x1  }
0x17: {  	s4 =	simm.s32 $0x1BF5;
	[smem:$0x3FB5] =	sst s0  }
0x18: {  	s0 =	sld [smem:$0x3F98];
	_ =	swait.ge [sflag:s4], $0x0  }
0x19: {  	s7 =	sld [smem:$0x3F99]  }
0x1a: {  	s8 =	sadd.s32 $0xFFFFE003, lr  }
0x1b: {  	s9 =	sadd.s32 $0xFFFFFEF7, lr;
	s5 =	simm.s32 $0xFFFFFFFF;
	p2 =	slt.u32 s8, $0xFFFFF086  }
0x1c: {  	p1 =	slt.u32 s9, $0xF7A;
	s5 =	simm.s32 @!p2 $0x0  }
0x1d: {  	s5 =	simm.s32 @p1 $0x1;
	p0 =	seq.s32 s7, s2  }
0x1e: {  	s7 =	smul.u32 @!p0 $0xF7A, s2;
	p2 =	seq.s32 @!p0 s5, $0x0  }
0x1f: {  	s9 =	smul.u32 $0xF7A, s1;
	s8 =	simm.s32 @!p0 $0x1BF5;
	p2 =	por !p2, p0  }
0x20: {  	[sflag:s8] =	ssyncset.s32 @!p0 $0xFFFFF086;
	s6 =	sadd.s32 @!p0 s3, s7;
	s7 =	simm.s32 @!p0 $0x108  }
0x21: {  	s3 =	sadd.s32 s3, s9;
	s6 =	sadd.s32 @!p0 $0x88, s6;
	s7 =	simm.s32 @p2 $0x1082  }
0x22: {  	[simem:s7], [sflag:s8] =	dma.local @!p0 [hbm:s6], $0xF7A  }
0x23: {  	s9 =	sor.u32 $0xD0000000, s2;
	s6 =	simm.s32 $0x108;
	_ =	swait.ge @!p0 [sflag:s8], $0x0  }
0x24: {  	s3 =	sadd.s32 $0x88, s3;
	s6 =	simm.s32 @!p1 $0x1082;
	[sflag:s4] =	ssyncset.s32 $0xFFFFF086  }
0x25: {  	[simem:s6], [sflag:s4] =	dma.local [hbm:s3], $0xF7A  }
0x26: {  	[smem:$0x3F99] =	sst s1;
	(tag) =	ssettag s2;
	_ =	strace s9  }
0x27: {  	s1 =	sld [smem:$0x3FA9]  }
0x28: {  	s2 =	sld [smem:$0x3FAA]  }
0x29: {  	s4 =	sld [smem:$0x3FAC]  }
0x2a: {  	p0 =	seq.s32 s5, $0x0;
	s5 =	sld [smem:$0x3FAD]  }
0x2b: {  	s6 =	sld [smem:$0x3FAE]  }
0x2c: {  	s7 =	sld [smem:$0x3FAF]  }
0x2d: {  	s3 =	simm.s32 $0x108;
	s8 =	sld [smem:$0x3FB0]  }
0x2e: {  	s3 =	simm.s32 @!p0 $0x1082;
	s9 =	sld [smem:$0x3FB1]  }
0x2f: {  	lr =	sadd.s32 s0, s3;
	s0 =	sld [smem:$0x3FA8]  }
0x30: {  	s3 =	sld [smem:$0x3FAB]  }
0x31: {  	[smem:$0x3FB4] =	sst s10  }
0x32: {  	s10 =	sld [smem:$0x3FB2];
	_ =	sdelay $0x3  }
0x33: {  	p0 =	seq.s32 s10, $0x1;
	s10 =	sld [smem:$0x3FB4];
	_ =	sdelay $0x3  }
0x34: {  	[smem:$0x3FB4] =	sst s10  }
0x35: {  	s10 =	sld [smem:$0x3FB3];
	_ =	sdelay $0x3  }
0x36: {  	p1 =	seq.s32 s10, $0x1;
	s10 =	sld [smem:$0x3FB4];
	_ =	sdelay $0x3  }
0x37: {  	[smem:$0x3FB4] =	sst s10  }
0x38: {  	s10 =	sld [smem:$0x3FB5]  }
0x39: {  	_ = 	snop;
	(pc) =	sbr.ind lr, $3  }
0x3a: {  	_ = 	snop  }
0x3b: {  	_ = 	snop  }
0x3c: {  	p2 =	seq.s32 s10, $0x1;
	s10 =	sld [smem:$0x3FB4]  }
0x3d: {  	_ =	shalt  }
0x3e: {  	_ =	shalt  }
0x3f: {  	_ =	shalt  }
0x40: {  	_ =	shalt  }
0x41: {  	_ =	shalt  }
0x42: {  	_ =	shalt  }
0x43: {  	_ =	shalt  }
0x44: {  	_ =	shalt  }
0x45: {  	_ =	shalt  }
0x46: {  	_ =	shalt  }
0x47: {  	_ =	shalt  }
0x48: {  	_ =	shalt  }
0x49: {  	_ =	shalt  }
0x4a: {  	_ =	shalt  }
0x4b: {  	_ =	shalt  }
0x4c: {  	_ =	shalt  }
0x4d: {  	_ =	shalt  }
0x4e: {  	_ =	shalt  }
0x4f: {  	_ =	shalt  }
0x50: {  	_ =	shalt  }
0x51: {  	_ =	shalt  }
0x52: {  	_ =	shalt  }
0x53: {  	_ =	shalt  }
0x54: {  	_ =	shalt  }
0x55: {  	_ =	shalt  }
0x56: {  	_ =	shalt  }
0x57: {  	_ =	shalt  }
0x58: {  	_ =	shalt  }
0x59: {  	_ =	shalt  }
0x5a: {  	_ =	shalt  }
0x5b: {  	_ =	shalt  }
0x5c: {  	_ =	shalt  }
0x5d: {  	_ =	shalt  }
0x5e: {  	_ =	shalt  }
0x5f: {  	_ =	shalt  }
0x60: {  	_ =	shalt  }
0x61: {  	_ =	shalt  }
0x62: {  	_ =	shalt  }
0x63: {  	_ =	shalt  }
0x64: {  	_ =	shalt  }
0x65: {  	_ =	shalt  }
0x66: {  	_ =	shalt  }
0x67: {  	_ =	shalt  }
0x68: {  	_ =	shalt  }
0x69: {  	_ =	shalt  }
0x6a: {  	_ =	shalt  }
0x6b: {  	_ =	shalt  }
0x6c: {  	_ =	shalt  }
0x6d: {  	_ =	shalt  }
0x6e: {  	_ =	shalt  }
0x6f: {  	_ =	shalt  }
0x70: {  	_ =	shalt  }
0x71: {  	_ =	shalt  }
0x72: {  	_ =	shalt  }
0x73: {  	_ =	shalt  }
0x74: {  	_ =	shalt  }
0x75: {  	_ =	shalt  }
0x76: {  	_ =	shalt  }
0x77: {  	_ =	shalt  }
0x78: {  	_ =	shalt  }
0x79: {  	_ =	shalt  }
0x7a: {  	_ =	shalt  }
0x7b: {  	_ =	shalt  }
0x7c: {  	_ =	shalt  }
0x7d: {  	_ =	shalt  }
0x7e: {  	_ =	shalt  }
0x7f: {  	_ =	shalt  }
0x80: {  	_ =	shalt  }
0x81: {  	_ =	shalt  }
0x82: {  	_ =	shalt  }
0x83: {  	_ =	shalt  }
0x84: {  	_ =	shalt  }
0x85: {  	_ =	shalt  }
0x86: {  	_ =	shalt  }
0x87: {  	_ =	shalt  }
.Lfunc_end0:
.L_simem_size_0:
called_computation_lowered:
.L_overlay_start_0:
0x88: {  	s2 =	sld [smem:$0x3FD9]  }
0x89: {  	s3 =	sld [smem:$0x3FFE];
	_ =	sdelay $0x1  }
0x8a: {  	s1 =	srdreg.scid  }
0x8b: {  	s0 =	sand.u32 $0x1, s1  }
0x8c: {  	s17 =	sshll.u32 s0, $0xA;
	s2 =	sadd.s32 s3, s2  }
0x8d: {  	s2 =	sadd.s32 s2, s17  }
0x8e: {  	[smem:$0x3FC0] =	sst s2  }
0x8f: {  	_ = 	snop  }
0x90: {  	s2 =	sld [smem:$0x3FD0];
	(tm) =	ssettm $0x1  }
0x91: {  	s18 =	sld [smem:$0x3FFB];
	_ =	sdelay $0x3  }
0x92: {  	_ =	strace s18  }
0x93: {  	s3 =	sld [smem:$0x3FFC];
	_ =	sdelay $0x3  }
0x94: {  	_ =	strace s3  }
0x95: {  	s3 =	sld [smem:$0x3FFD];
	_ =	sdelay $0x3  }
0x96: {  	_ =	strace s3  }
0x97: {  	_ =	strace $0x8FFFFFFF  }
0x98: {  	s19 =	sld [smem:$0x3FDB];
	_ =	sdelay $0x1  }
0x99: {  	s4 =	simm.s32 $_scs_section_size  }
0x9a: {  	s5 =	simm.s32 $_size__tile_overlayer_lowered;
	s6 =	simm.s32 $_tile_overlayer_lowered  }
0x9b: {  	s22 =	simm.s32 $0x1BFF;
	s21 =	sshll.u32 s6, $0x1;
	s3 =	sadd.s32 s4, s19  }
0x9c: {  	s7 =	simm.s32 $0x0;
	s20 =	sshll.u32 s5, $0x1;
	s5 =	sadd.s32 s21, s3  }
0x9d: {  	[timem:s7], [sflag:s22] =	dma.local [hbm:s5], s20  }
0x9e: {  	_ =	swait.ge [sflag:s22], s20  }
0x9f: {  	s4 =	ssub.s32 $0x0, s20;
	[sflag:s22] =	ssyncset.done $0x0  }
0xa0: {  	[sflag:s22] =	ssyncadd.s32 s4;
	_ =	sdelay $0x1  }
0xa1: {  	s23 =	simm.s32 $0x1B8B  }
0xa2: {  	_ =	swait.ge [sflag:s23], $0x1  }
0xa3: {  	[sflag:s23] =	ssyncset.done $0x0  }
0xa4: {  	s25 =	simm.s32 $0x1B8E;
	s24 =	sld [smem:$0x3FFE];
	[sflag:s23] =	ssyncadd.s32 $0xFFFFFFFF  }
0xa5: {  	s26 =	simm.s32 $execute0_lowered;
	[smem:$0x3FD2] =	sst s25  }
0xa6: {  	s5 =	sshll.u32 s26, $0x1;
	_ =	strace $0x80000046;
	[dreg:$0x1] =	wrdreg $0xFFFFFFFF  }
0xa7: {  	s28 =	simm.s32 $_size_execute0_lowered;
	s3 =	sadd.s32 s3, s5;
	[dreg:$0x0] =	wrdreg $0x0  }
0xa8: {  	s5 =	sshll.u32 s28, $0x1;
	[dreg:$0x2] =	wrdreg s3  }
0xa9: {  	[dreg:$0x3] =	wrdreg s5  }
0xaa: {  	[dreg:$0x4] =	wrdreg $0xC0  }
0xab: {  	_ =	task [dreg:s7], $0x5FFFF  }
0xac: {  	[dreg:$0x1] =	wrdreg $0xFFFFFFFF  }
0xad: {  	[dreg:$0x0] =	wrdreg $0x60  }
0xae: {  	[dreg:$0x2] =	wrdreg s2  }
0xaf: {  	[dreg:$0x3] =	wrdreg s24  }
0xb0: {  	[dreg:$0x4] =	wrdreg $0x38000  }
0xb1: {  	[dreg:$0x5] =	wrdreg $0x9  }
0xb2: {  	_ =	task.clear_ibuf [dreg:s7], $0x6FFFF;
	_ =	strace $0x90000046  }
0xb3: {  	s29 =	simm.s32 $0x9;
	_ =	strace $0x80000048  }
0xb4: {  	_ =	swait.ge [sflag:s29], $0x1  }
0xb5: {  	[sflag:s29] =	ssyncadd.s32 $0xFFFFFFFF  }
0xb6: {  	_ =	strace $0x90000048  }
0xb7: {  	_ =	sfence  }
0xb8: {  	s30 =	sld [smem:$0x0];
	_ =	sdelay $0x2  }
0xb9: {  	s31 =	sshll.u32 s1, $0xD;
	s1 =	sshrl.u32 s1, $0x2  }
0xba: {  	s3 =	sand.u32 $0x4000, s31;
	s1 =	sadd.s32 s1, s30  }
0xbb: {  	s0 =	sor.u32 s3, s0;
	s1 =	sshll.u32 s1, $0x11  }
0xbc: {  	s0 =	sor.u32 s1, s0  }
0xbd: {  	s0 =	sadd.s32 $0x8F2B, s0  }
0xbe: {  	[sflag:s0] =	ssyncadd.remote.s32 $0x1  }
0xbf: {  	_ =	sfence.sel $0xFFFF  }
0xc0: {  	[dreg:$0x0] =	wrdreg $0xFFFFFFFF;
	(pc) =	sbr.abs _section_cstart, $3  }
0xc1: {  	[dreg:$0x1] =	wrdreg $0xFFFFFFFF  }
0xc2: {  	_ =	task.clear_ibuf [dreg:s7], $0x2FFFF;
	_ =	strace $0x9FFFFFFF  }
0xc3: {  	(tm) =	ssettm $0x7FFFFFFF  }
tec
execute0_lowered:
.L_overlay_start_1:
0x0: {  	(tag) =	ssettag $0x1  }
0x1: {  	s5 =	rddreg [dreg:$0x0]  }
0x2: {  	s6 =	rddreg [dreg:$0x1]  }
0x3: {  	s2 =	rddreg [dreg:$0x2]  }
0x4: {  	s0 =	rddreg [dreg:$0x3]  }
0x5: {  	s3 =	simm.s32 $0x0;
	s1 =	stileid.u32;
	s4 =	srdreg.scid  }
0x6: {  	s14 =	simm.s32 $0x3;
	s15 =	simm.s32 $0x100;
	s16 =	simm.s32 $0x4  }
0x7: {  	s18 =	simm.s32 $0x0;
	[smem:$0x7FF] =	sst s3;
	s7 =	smul.u32 $0x2800, s1  }
0x8: {  	s8 =	sand.u32 $0x1, s4;
	s4 =	sadd.s32 $0x1E00, s6;
	s17 =	sshll.u32 s1, $0x6  }
0x9: {  	_ =	strace $0x80000047;
	s9 =	smul.u32 $0x28000, s8;
	s10 =	sshll.u32 s8, $0x4  }
0xa: {  	s8 =	ssub.s32 $0x2, s8;
	s11 =	sshrl.u32 s7, $0x3;
	s10 =	sor.u32 s1, s10  }
0xb: {  	s12 =	sshrl.u32 s8, $0x1;
	s13 =	sadd.s32 s7, s2;
	s9 =	sadd.s32 s7, s9  }
0xc: {  	s10 =	smul.u32 $0x500, s10;
	s11 =	sadd.s32 s11, s6;
	s12 =	ssub.s32 s8, s12  }
0xd: {  	s7 =	sor.u32 $0x1C03, s17;
	s17 =	sor.u32 $0x1C04, s17;
	s9 =	sshrl.u32 s9, $0x3  }
0xe: {  	s9 =	sadd.s32 s9, s6;
	s5 =	sadd.s32 s5, s10;
	s6 =	sadd.s32 $0x2000, s11  }
0xf: {  	s10 =	simm.s32 $0x2800;
	s11 =	sshrl.u32 s13, $0x3;
	s13 =	simm.s32 $0x2  }
0x10: {  	s8 =	sadd.s32 $0x7000, s9;
	s9 =	smax.u32 s12, $0x1;
	s12 =	simm.s32 $0x1  }
.LBB2_1:
0x11: {  	[tilespmem:s3], [sflag:$0x1] =	stream.linear.gather [hbm4b:s5+s3], $0x2800, $0x38;
	[tilespmem:$0x6000] =	vst v63  }
0x12: {  	_ = 	snop  }
0x13: {  	[tilespmem:s10], [sflag:$0x2] =	stream.linear.gather [hbm4b:s4+s3], $0x1000, $0x38;
	[tilespmem:$0x6000] =	vst v63  }
0x14: {  	[spmem:s11], [sflag:s7] =	dma.local [hbm:s6], $0x500  }
0x15: {  	_ =	swait.ge [sflag:s12], $0x2800  }
0x16: {  	[sflag:s12] =	ssyncset.done $0x0  }
0x17: {  	[sflag:s12] =	ssyncadd.s32 $0xFFFFD800  }
0x18: {  	_ =	swait.ge [sflag:s13], $0x1000  }
0x19: {  	[sflag:s13] =	ssyncset.done $0x0  }
0x1a: {  	[sflag:s13] =	ssyncadd.s32 $0xFFFFF000  }
0x1b: {  	_ =	swait.ge [sflag:s14], $0x500  }
0x1c: {  	[sflag:s14] =	ssyncset.done $0x0  }
0x1d: {  	[sflag:s14] =	ssyncadd.s32 $0xFFFFFB00  }
0x1e: {  	s19 =	simm.s32 $0x0;
	[bflag:$0x0] =	sbarrier.arrive $0xFFFF  }
0x1f: {  	[spmem:s2] =	stream.indirect.scatter.add.f32 [tilespmem:s10], [sflag:$0x4], $0x10, s19, s15, $0xb8;
	[tilespmem:$0x6000] =	vst v63  }
0x20: {  	_ =	swait.ge [sflag:s16], $0x1000  }
0x21: {  	s19 =	simm.s32 $0x400;
	[sflag:s16] =	ssyncset.done $0x0  }
.LBB2_2:
0x22: {  	s20 =	sshra.s32 s19, $0x2;
	[sflag:s16] =	ssyncadd.s32 $0xFFFFF000;
	p0 =	sne.s32 s19, $0x9C00  }
0x23: {  	[spmem:s2] =	stream.indirect.scatter.add.f32 [tilespmem:s10], [sflag:$0x4], $0x10, s20, s15, $0xb8;
	[tilespmem:$0x6000] =	vst v63  }
.Ltmp0:
0x24: {  	_ = 	snop;
	(pc) =	sbr.rel @p0 .LBB2_2-.Ltmp0, $4  }
0x25: {  	_ = 	snop  }
0x26: {  	s19 =	sadd.s32 $0x400, s19  }
0x27: {  	_ =	swait.ge [sflag:s16], $0x1000  }
0x28: {  	[sflag:s16] =	ssyncset.done $0x0  }
0x29: {  	s18 =	sadd.s32 $0x1, s18  }
0x2a: {  	[sflag:s16] =	ssyncadd.s32 $0xFFFFF000;
	p0 =	sne.s32 s18, s9  }
.Ltmp1:
0x2b: {  	[bflag:$0x0] =	sbarrier.arrive $0xFFFF;
	(pc) =	sbr.rel @p0 .LBB2_1-.Ltmp1, $4  }
0x2c: {  	[hbm:s8], [sflag:s17] =	dma.local [spmem:s11], $0x500  }
0x2d: {  	_ =	swait.ge [sflag:s16], $0x500  }
0x2e: {  	[sflag:s16] =	ssyncset.done $0x0  }
0x2f: {  	[sflag:s16] =	ssyncadd.s32 $0xFFFFFB00  }
0x30: {  	_ =	sfence.sel $0x180000  }
0x31: {  	[bflag:$0x0] =	sbarrier.arrive $0xFFFF  }
0x32: {  	p0 =	sne.s32 s1, $0x0;
	_ =	strace $0x90000047  }
0x33: {  	s0 =	sadd.s32 @!p0 $0x100000, s0;
	[bflag:$0x2] =	sbarrier.arrive $0xFFFF  }
0x34: {  	[sflag:s0] =	ssyncadd.tile.s32 @!p0 $0x1;
	_ =	shalt  }
.Lfunc_end2:
_tile_overlayer_lowered:
.L_overlay_start_2:
0x35: {  	(tag) =	ssettag $0x2  }
0x36: {  	s0 =	rddreg [dreg:$0x0];
	s2 =	stileid.u32  }
0x37: {  	s1 =	rddreg [dreg:$0x1];
	p0 =	sne.s32 s2, $0x0  }
0x38: {  	s3 =	rddreg [dreg:$0x2];
	[bflag:$0x3] =	sbarrier.arrive $0xFFFF;
	s2 =	simm.s32 @!p0 $0x1C04  }
0x39: {  	[timem:s3], [sflag:s2] =	dma.local @!p0 [hbm:s0], s1  }
0x3a: {  	s0 =	simm.s32 @!p0 $0x4  }
0x3b: {  	_ =	swait.ge @!p0 [sflag:s0], s1  }
0x3c: {  	s1 =	ssub.s32 @!p0 $0x0, s1;
	[sflag:s0] =	ssyncset.done @!p0 $0x0  }
0x3d: {  	[sflag:s0] =	ssyncadd.s32 @!p0 s1  }
0x3e: {  	[bflag:$0x3] =	sbarrier.arrive $0xFFFF  }
0x3f: {  	_ =	shalt  }

</sc_bundles>
